<compile_context>
chip_gen: v7x
topology: tpu7x:2x2x1
jax: 0.10.2.dev20260603
libtpu: 0.0.44.dev20260713+nightly
codegen_flags: <defaults>
</compile_context>

<pallas_src>
import jax
import jax.numpy as jnp
from jax import lax
from jax.experimental import pallas as pl
from jax.experimental.pallas import tpu as pltpu
import jax.experimental.pallas.tpu_sc as plsc

B = 16
SEQ = 77
N_CTX = 16
N_VERB = 64
CTX_DIM = 512

PAD_SEQ = 96
ROWS_PER_W = 48
V_BLK = 16
NBUF = 4


def _sc_gather_body(tok_hbm, nn_hbm, pre_hbm, table_hbm,
                    e_hbm, ct_hbm,
                    tok_v, nn_v, pre_v, idx_v, ct_v, rows_v, sem):
    c = lax.axis_index("c")
    s = lax.axis_index("s")
    wid = s * 2 + c
    b = wid // 2
    j0 = (wid % 2) * ROWS_PER_W

    pltpu.sync_copy(tok_hbm.at[pl.ds(b * PAD_SEQ, PAD_SEQ)], tok_v)
    pltpu.sync_copy(nn_hbm, nn_v)
    pltpu.sync_copy(pre_hbm, pre_v)

    bvec = jnp.full((16,), b, jnp.int32)
    n1 = plsc.load_gather(nn_v, [bvec])
    iota = lax.iota(jnp.int32, 16)

    for ci in range(ROWS_PER_W // 16):
        j = j0 + 16 * ci + iota
        in_ctx = (j > n1) & (j <= n1 + N_CTX)
        tidx = jnp.where(j <= n1, j, j - N_CTX)
        tidx = jnp.clip(tidx, 0, SEQ - 1)
        tok = plsc.load_gather(tok_v, [tidx])
        cidx = jnp.clip(j - 1 - n1, 0, N_CTX - 1)
        pre = plsc.load_gather(pre_v, [cidx])
        ct_v[pl.ds(16 * ci, 16)] = jnp.where(in_ctx, pre, tok)
        idx_v[pl.ds(16 * ci, 16)] = tok

    pltpu.async_copy(table_hbm.at[idx_v], rows_v, sem).wait()
    pltpu.sync_copy(rows_v, e_hbm.at[b, pl.ds(j0, ROWS_PER_W)])
    pltpu.sync_copy(ct_v, ct_hbm.at[pl.ds(b * PAD_SEQ + j0, ROWS_PER_W)])


def _tc_splice_body(nn_smem, e_ref, ctx_ref, out_hbm,
                    buf0, buf1, buf2, buf3, sem0, sem1, sem2, sem3):
    b = pl.program_id(0)
    n = nn_smem[b]
    bufs = [buf0, buf1, buf2, buf3]
    sems = [sem0, sem1, sem2, sem3]

    e = e_ref[0, :SEQ, :]
    for k in range(NBUF):
        buf, sem = bufs[k], sems[k]
        dst = out_hbm.at[b, pl.ds(k * V_BLK, V_BLK)]

        @pl.when(b > 0)
        def _():
            pltpu.make_async_copy(buf, out_hbm.at[b - 1, pl.ds(k * V_BLK,
                                                               V_BLK)],
                                  sem).wait()

        buf[:, :, :] = jnp.broadcast_to(e[None], (V_BLK, SEQ, CTX_DIM))
        ctx_blk = ctx_ref[pl.ds(k * V_BLK, V_BLK)]
        for nv in range(8):
            @pl.when(n == nv)
            def _():
                buf[:, nv + 1:nv + 1 + N_CTX, :] = ctx_blk
        pltpu.async_copy(buf, dst, sem)

    @pl.when(b == B - 1)
    def _():
        for k in range(NBUF):
            pltpu.make_async_copy(bufs[k],
                                  out_hbm.at[b, pl.ds(k * V_BLK, V_BLK)],
                                  sems[k]).wait()


def _sc_stage(tok_pad, nn, prefix, table):
    mesh = plsc.VectorSubcoreMesh(core_axis_name="c", subcore_axis_name="s",
                                  num_cores=2, num_subcores=16)
    sc_fn = pl.kernel(
        _sc_gather_body,
        out_type=(
            jax.ShapeDtypeStruct((B, PAD_SEQ, CTX_DIM), jnp.float32),
            jax.ShapeDtypeStruct((B * PAD_SEQ,), jnp.int32),
        ),
        mesh=mesh,
        compiler_params=pltpu.CompilerParams(needs_layout_passes=False),
        scratch_types=[
            pltpu.VMEM((PAD_SEQ,), jnp.int32),
            pltpu.VMEM((16,), jnp.int32),
            pltpu.VMEM((N_CTX,), jnp.int32),
            pltpu.VMEM((ROWS_PER_W,), jnp.int32),
            pltpu.VMEM((ROWS_PER_W,), jnp.int32),
            pltpu.VMEM((ROWS_PER_W, CTX_DIM), jnp.float32),
            pltpu.SemaphoreType.DMA,
        ],
    )
    return sc_fn(tok_pad, nn, prefix, table)


def _tc_splice(nn, e_pad, ctx):
    return pl.pallas_call(
        _tc_splice_body,
        grid=(B,),
        in_specs=[
            pl.BlockSpec(memory_space=pltpu.SMEM),
            pl.BlockSpec((1, PAD_SEQ, CTX_DIM), lambda b: (b, 0, 0)),
            pl.BlockSpec((N_VERB, N_CTX, CTX_DIM), lambda b: (0, 0, 0)),
        ],
        out_specs=pl.BlockSpec(memory_space=pltpu.MemorySpace.HBM),
        out_shape=jax.ShapeDtypeStruct((B, N_VERB, SEQ, CTX_DIM), jnp.float32),
        scratch_shapes=[pltpu.VMEM((V_BLK, SEQ, CTX_DIM), jnp.float32)
                        for _ in range(NBUF)] +
                       [pltpu.SemaphoreType.DMA for _ in range(NBUF)],
        compiler_params=pltpu.CompilerParams(
            dimension_semantics=("arbitrary",)),
    )(nn, e_pad, ctx)


@jax.jit
def kernel(nouns_token, nouns_numbers, ctx, token_embedding_weight,
           prompt_prefix_token):
    tok_pad = jnp.zeros((B, PAD_SEQ), jnp.int32).at[:, :SEQ].set(nouns_token)
    prefix = prompt_prefix_token.reshape(N_CTX).astype(jnp.int32)
    nn = nouns_numbers.astype(jnp.int32)

    e_pad, ct_flat = _sc_stage(tok_pad.reshape(B * PAD_SEQ), nn, prefix,
                               token_embedding_weight)
    prompts = _tc_splice(nn, e_pad, ctx)
    return prompts, ct_flat.reshape(B, PAD_SEQ)[:, :SEQ]

# --- scband reference (transcript-rebuilt; emitter-appended) ---
"""Pipeline reference for scband-prompt-learner-66125316489726 (READ-ONLY COPY).

The authoritative reference and input builder live on the scoring server;
editing this copy changes nothing except your own understanding.
"""

import jax, jax.numpy as jnp
import numpy as np

B = 16
SEQ = 77
N_CTX = 16
N_VERB = 64
CTX_DIM = 512
VOCAB = 49408


def setup_inputs(seed: int = 0) -> dict:
    key = jax.random.key(seed)
    k1, k2, k3, k4 = jax.random.split(key, 4)
    nouns_token = jax.random.randint(k1, (B, SEQ), 0, VOCAB, dtype=jnp.int32)
    nouns_numbers = jax.random.randint(k2, (B,), 0, 8, dtype=jnp.int32)
    ctx = jax.random.normal(k3, (N_VERB, N_CTX, CTX_DIM), dtype=jnp.float32) * 0.02
    token_embedding_weight = jax.random.normal(k4, (VOCAB, CTX_DIM), dtype=jnp.float32) * 0.02
    # buffer: token ids of the 'X X ... X' prompt prefix (constant token id for 'X')
    prompt_prefix_token = jnp.full((1, N_CTX), 343, dtype=jnp.int32)
    return {
        "nouns_token": nouns_token,
        "nouns_numbers": nouns_numbers,
        "ctx": ctx,
        "token_embedding_weight": token_embedding_weight,
        "prompt_prefix_token": prompt_prefix_token,
    }


def reference(nouns_token, nouns_numbers, ctx, token_embedding_weight, prompt_prefix_token):
    batchsize = nouns_token.shape[0]
    n_verb = ctx.shape[0]
    n_ctx = ctx.shape[1]
    seq = nouns_token.shape[1]

    n = nouns_numbers[:, None]  # [B, 1]
    j = jnp.arange(seq, dtype=nouns_numbers.dtype)[None, :]  # [1, 77]
    in_ctx = (j > n) & (j <= n + n_ctx)  # [B, 77]
    tok_idx = jnp.where(j <= n, j, j - n_ctx)
    tok_idx = jnp.clip(tok_idx, 0, seq - 1)
    ctx_idx = jnp.clip(j - 1 - n, 0, n_ctx - 1)  # [B, 77]

    # ---- build concat_token (integer token splice) ----
    tok_vals = jnp.take_along_axis(nouns_token, tok_idx, axis=1)  # [B, 77]
    prefix_vals = jnp.take(prompt_prefix_token[0], ctx_idx, axis=0)  # [B, 77]
    concat_token = jnp.where(in_ctx, prefix_vals, tok_vals)

    # ---- embedding lookup ----
    nouns_token_embedding = jnp.take(token_embedding_weight, nouns_token, axis=0)  # [B, 77, d]

    # ---- build prompts with verb-specific contexts spliced in ----
    emb_gathered = jnp.take_along_axis(nouns_token_embedding, tok_idx[:, :, None], axis=1)  # [B, 77, d]
    ctx_gathered = ctx[:, ctx_idx, :]  # [n_verb, B, 77, d]
    prompts = jnp.where(in_ctx[None, :, :, None], ctx_gathered, emb_gathered[None])
    prompts = jnp.transpose(prompts, (1, 0, 2, 3))  # [B, n_verb, 77, d]
    return (prompts, concat_token)

if __name__ == "__main__":
    import jax
    _d = setup_inputs()
    print(jax.jit(kernel)(*tuple(_d.values())))

</pallas_src>

<mosaic_0001>
#map = affine_map<(d0, d1) -> (0)>
#map1 = affine_map<(d0, d1) -> (0, 0)>
#map2 = affine_map<(d0, d1) -> (0, 0, 0)>
module attributes {stable_mosaic.version = 14 : i64} {
  func.func @_sc_gather_body(%arg0: i32, %arg1: i32, %arg2: memref<1536xi32, #tpu.memory_space<hbm>>, %arg3: memref<16xi32, #tpu.memory_space<hbm>>, %arg4: memref<16xi32, #tpu.memory_space<hbm>>, %arg5: memref<49408x512xf32, #tpu.memory_space<hbm>>, %arg6: memref<16x96x512xf32, #tpu.memory_space<hbm>>, %arg7: memref<1536xi32, #tpu.memory_space<hbm>>, %arg8: memref<96xi32, #tpu.memory_space<vmem>>, %arg9: memref<16xi32, #tpu.memory_space<vmem>>, %arg10: memref<16xi32, #tpu.memory_space<vmem>>, %arg11: memref<48xi32, #tpu.memory_space<vmem>>, %arg12: memref<48xi32, #tpu.memory_space<vmem>>, %arg13: memref<48x512xf32, #tpu.memory_space<vmem>>, %arg14: memref<!tpu.dma_semaphore, #tpu.memory_space<semaphore_mem>>) attributes {dimension_semantics = [#tpu.dimension_semantics<core_parallel>, #tpu.dimension_semantics<subcore_parallel>], iteration_bounds = array<i64: 2, 16>, scalar_prefetch = 0 : i64, scratch_operands = 7 : i64, tpu.core_type = #tpu.core_type<sc_vector_subcore>, window_params = [{transform_indices = #map}, {transform_indices = #map}, {transform_indices = #map}, {transform_indices = #map1}, {transform_indices = #map2}, {transform_indices = #map}]} {
    %mul3A = arith.constant 2 : i32
    %mul3A_0 = arith.muli %arg1, %mul3A : i32
    %add3A = arith.addi %mul3A_0, %arg0 : i32
    %jit3A = arith.constant 2 : i32
    %div3A = arith.divsi %add3A, %jit3A : i32
    %sign3A = arith.constant 0 : i32
    %sign3A_1 = arith.cmpi sgt, %add3A, %sign3A : i32
    %sign3A_2 = arith.extui %sign3A_1 : i1 to i32
    %sign3A_3 = arith.constant 0 : i32
    %sign3A_4 = arith.cmpi slt, %add3A, %sign3A_3 : i32
    %sign3A_5 = arith.extui %sign3A_4 : i1 to i32
    %sign3A_6 = arith.subi %sign3A_2, %sign3A_5 : i32
    %sign3A_7 = arith.constant 0 : i32
    %sign3A_8 = arith.cmpi sgt, %jit3A, %sign3A_7 : i32
    %sign3A_9 = arith.extui %sign3A_8 : i1 to i32
    %sign3A_10 = arith.constant 0 : i32
    %sign3A_11 = arith.cmpi slt, %jit3A, %sign3A_10 : i32
    %sign3A_12 = arith.extui %sign3A_11 : i1 to i32
    %sign3A_13 = arith.subi %sign3A_9, %sign3A_12 : i32
    %ne3A = arith.cmpi ne, %sign3A_6, %sign3A_13 : i32
    %rem3A = arith.remsi %add3A, %jit3A : i32
    %ne3A_14 = arith.constant 0 : i32
    %ne3A_15 = arith.cmpi ne, %rem3A, %ne3A_14 : i32
    %and3A = arith.andi %ne3A, %ne3A_15 : i1
    %sub3A = arith.constant 1 : i32
    %sub3A_16 = arith.subi %div3A, %sub3A : i32
    %select_n3A = arith.select %and3A, %sub3A_16, %div3A : i32
    %jit3A_17 = arith.constant 2 : i32
    %eq3A = arith.constant 0 : i32
    %eq3A_18 = arith.cmpi eq, %jit3A_17, %eq3A : i32
    %jit3A_19 = arith.constant 1 : i32
    %select_n3A_20 = arith.select %eq3A_18, %jit3A_19, %jit3A_17 : i32
    %rem3A_21 = arith.remsi %add3A, %select_n3A_20 : i32
    %ne3A_22 = arith.constant 0 : i32
    %ne3A_23 = arith.cmpi ne, %rem3A_21, %ne3A_22 : i32
    %lt3A = arith.constant 0 : i32
    %lt3A_24 = arith.cmpi slt, %rem3A_21, %lt3A : i32
    %lt3A_25 = arith.constant 0 : i32
    %lt3A_26 = arith.cmpi slt, %select_n3A_20, %lt3A_25 : i32
    %ne3A_27 = arith.xori %lt3A_24, %lt3A_26 : i1
    %and3A_28 = arith.andi %ne3A_27, %ne3A_23 : i1
    %add3A_29 = arith.addi %rem3A_21, %select_n3A_20 : i32
    %select_n3A_30 = arith.select %and3A_28, %add3A_29, %rem3A_21 : i32
    %mul3A_31 = arith.constant 48 : i32
    %mul3A_32 = arith.muli %select_n3A_30, %mul3A_31 : i32
    %mul3A_33 = arith.constant 96 : i32
    %mul3A_34 = arith.muli %select_n3A, %mul3A_33 : i32
    "tpu.region"() ({
      %run_scoped3A = tpu.sem_alloc : memref<!tpu.dma_semaphore, #tpu.memory_space<semaphore_mem>>
      %dma_start3A_151 = tpu.memref_slice %arg2[%mul3A_34] : memref<1536xi32, #tpu.memory_space<hbm>> -> memref<96xi32, #tpu.memory_space<hbm>>
      %dma_start3A_152 = tpu.memref_slice %arg2[%mul3A_34] : memref<1536xi32, #tpu.memory_space<hbm>> -> memref<96xi32, #tpu.memory_space<hbm>>
      tpu.enqueue_dma source(%dma_start3A_152 : memref<96xi32, #tpu.memory_space<hbm>>) target(%arg8 : memref<96xi32, #tpu.memory_space<vmem>>) target_semaphore(%run_scoped3A : memref<!tpu.dma_semaphore, #tpu.memory_space<semaphore_mem>>)
      %dma_wait3A_153 = tpu.memref_slice %arg2[%mul3A_34] : memref<1536xi32, #tpu.memory_space<hbm>> -> memref<96xi32, #tpu.memory_space<hbm>>
      %dma_wait3A_154 = tpu.memref_slice %arg2[%mul3A_34] : memref<1536xi32, #tpu.memory_space<hbm>> -> memref<96xi32, #tpu.memory_space<hbm>>
      tpu.wait_dma2 semaphore(%run_scoped3A : memref<!tpu.dma_semaphore, #tpu.memory_space<semaphore_mem>>) src(%dma_wait3A_154 : memref<96xi32, #tpu.memory_space<hbm>>) dst(%arg8 : memref<96xi32, #tpu.memory_space<vmem>>)
      tpu.yield
    }) : () -> ()
    "tpu.region"() ({
      %run_scoped3A = tpu.sem_alloc : memref<!tpu.dma_semaphore, #tpu.memory_space<semaphore_mem>>
      tpu.enqueue_dma source(%arg3 : memref<16xi32, #tpu.memory_space<hbm>>) target(%arg9 : memref<16xi32, #tpu.memory_space<vmem>>) target_semaphore(%run_scoped3A : memref<!tpu.dma_semaphore, #tpu.memory_space<semaphore_mem>>)
      tpu.wait_dma2 semaphore(%run_scoped3A : memref<!tpu.dma_semaphore, #tpu.memory_space<semaphore_mem>>) src(%arg3 : memref<16xi32, #tpu.memory_space<hbm>>) dst(%arg9 : memref<16xi32, #tpu.memory_space<vmem>>)
      tpu.yield
    }) : () -> ()
    "tpu.region"() ({
      %run_scoped3A = tpu.sem_alloc : memref<!tpu.dma_semaphore, #tpu.memory_space<semaphore_mem>>
      tpu.enqueue_dma source(%arg4 : memref<16xi32, #tpu.memory_space<hbm>>) target(%arg10 : memref<16xi32, #tpu.memory_space<vmem>>) target_semaphore(%run_scoped3A : memref<!tpu.dma_semaphore, #tpu.memory_space<semaphore_mem>>)
      tpu.wait_dma2 semaphore(%run_scoped3A : memref<!tpu.dma_semaphore, #tpu.memory_space<semaphore_mem>>) src(%arg4 : memref<16xi32, #tpu.memory_space<hbm>>) dst(%arg10 : memref<16xi32, #tpu.memory_space<vmem>>)
      tpu.yield
    }) : () -> ()
    %broadcast_in_dim3A = vector.broadcast %select_n3A : i32 to vector<16xi32>
    %gather3A = tpu.vector_load_idx %arg9[%broadcast_in_dim3A] : memref<16xi32, #tpu.memory_space<vmem>>[vector<16xi32>], vector<16xi32>,
    %iota3A = tpu.iota {dimensions = array<i32: 0>} : vector<16xi32>
    %add3A_35 = arith.constant 0 : i32
    %add3A_36 = arith.addi %mul3A_32, %add3A_35 : i32
    %add3A_37 = vector.broadcast %add3A_36 : i32 to vector<16xi32>
    %add3A_38 = arith.addi %add3A_37, %iota3A : vector<16xi32>
    %gt3A = arith.cmpi sgt, %add3A_38, %gather3A : vector<16xi32>
    %add3A_39 = arith.constant 16 : i32
    %add3A_40 = vector.broadcast %add3A_39 : i32 to vector<16xi32>
    %add3A_41 = arith.addi %gather3A, %add3A_40 : vector<16xi32>
    %le3A = arith.cmpi sle, %add3A_38, %add3A_41 : vector<16xi32>
    %and3A_42 = arith.andi %gt3A, %le3A : vector<16xi1>
    %le3A_43 = arith.cmpi sle, %add3A_38, %gather3A : vector<16xi32>
    %sub3A_44 = arith.constant 16 : i32
    %sub3A_45 = vector.broadcast %sub3A_44 : i32 to vector<16xi32>
    %sub3A_46 = arith.subi %add3A_38, %sub3A_45 : vector<16xi32>
    %select_n3A_47 = arith.select %le3A_43, %add3A_38, %sub3A_46 : vector<16xi1>, vector<16xi32>
    %jit3A_48 = arith.constant 0 : i32
    %jit3A_49 = arith.constant 76 : i32
    %max3A = vector.broadcast %jit3A_48 : i32 to vector<16xi32>
    %max3A_50 = arith.maxsi %max3A, %select_n3A_47 : vector<16xi32>
    %min3A = vector.broadcast %jit3A_49 : i32 to vector<16xi32>
    %min3A_51 = arith.minsi %min3A, %max3A_50 : vector<16xi32>
    %gather3A_52 = tpu.vector_load_idx %arg8[%min3A_51] : memref<96xi32, #tpu.memory_space<vmem>>[vector<16xi32>], vector<16xi32>,
    %sub3A_53 = arith.constant 1 : i32
    %sub3A_54 = vector.broadcast %sub3A_53 : i32 to vector<16xi32>
    %sub3A_55 = arith.subi %add3A_38, %sub3A_54 : vector<16xi32>
    %sub3A_56 = arith.subi %sub3A_55, %gather3A : vector<16xi32>
    %jit3A_57 = arith.constant 0 : i32
    %jit3A_58 = arith.constant 15 : i32
    %max3A_59 = vector.broadcast %jit3A_57 : i32 to vector<16xi32>
    %max3A_60 = arith.maxsi %max3A_59, %sub3A_56 : vector<16xi32>
    %min3A_61 = vector.broadcast %jit3A_58 : i32 to vector<16xi32>
    %min3A_62 = arith.minsi %min3A_61, %max3A_60 : vector<16xi32>
    %gather3A_63 = tpu.vector_load_idx %arg10[%min3A_62] : memref<16xi32, #tpu.memory_space<vmem>>[vector<16xi32>], vector<16xi32>,
    %select_n3A_64 = arith.select %and3A_42, %gather3A_63, %gather3A_52 : vector<16xi1>, vector<16xi32>
    %swap3A = arith.constant 0 : index
    %swap3A_65 = tpu.vector_load %arg12[%swap3A] {strides = array<i32>} : memref<48xi32, #tpu.memory_space<vmem>>, vector<16xi32>,
    tpu.vector_store %arg12[%swap3A], %select_n3A_64 {strides = array<i32>} : memref<48xi32, #tpu.memory_space<vmem>>, vector<16xi32>,
    %swap3A_66 = arith.constant 0 : index
    %swap3A_67 = tpu.vector_load %arg11[%swap3A_66] {strides = array<i32>} : memref<48xi32, #tpu.memory_space<vmem>>, vector<16xi32>,
    tpu.vector_store %arg11[%swap3A_66], %gather3A_52 {strides = array<i32>} : memref<48xi32, #tpu.memory_space<vmem>>, vector<16xi32>,
    %add3A_68 = arith.constant 16 : i32
    %add3A_69 = arith.addi %mul3A_32, %add3A_68 : i32
    %add3A_70 = vector.broadcast %add3A_69 : i32 to vector<16xi32>
    %add3A_71 = arith.addi %add3A_70, %iota3A : vector<16xi32>
    %gt3A_72 = arith.cmpi sgt, %add3A_71, %gather3A : vector<16xi32>
    %add3A_73 = arith.constant 16 : i32
    %add3A_74 = vector.broadcast %add3A_73 : i32 to vector<16xi32>
    %add3A_75 = arith.addi %gather3A, %add3A_74 : vector<16xi32>
    %le3A_76 = arith.cmpi sle, %add3A_71, %add3A_75 : vector<16xi32>
    %and3A_77 = arith.andi %gt3A_72, %le3A_76 : vector<16xi1>
    %le3A_78 = arith.cmpi sle, %add3A_71, %gather3A : vector<16xi32>
    %sub3A_79 = arith.constant 16 : i32
    %sub3A_80 = vector.broadcast %sub3A_79 : i32 to vector<16xi32>
    %sub3A_81 = arith.subi %add3A_71, %sub3A_80 : vector<16xi32>
    %select_n3A_82 = arith.select %le3A_78, %add3A_71, %sub3A_81 : vector<16xi1>, vector<16xi32>
    %jit3A_83 = arith.constant 0 : i32
    %jit3A_84 = arith.constant 76 : i32
    %max3A_85 = vector.broadcast %jit3A_83 : i32 to vector<16xi32>
    %max3A_86 = arith.maxsi %max3A_85, %select_n3A_82 : vector<16xi32>
    %min3A_87 = vector.broadcast %jit3A_84 : i32 to vector<16xi32>
    %min3A_88 = arith.minsi %min3A_87, %max3A_86 : vector<16xi32>
    %gather3A_89 = tpu.vector_load_idx %arg8[%min3A_88] : memref<96xi32, #tpu.memory_space<vmem>>[vector<16xi32>], vector<16xi32>,
    %sub3A_90 = arith.constant 1 : i32
    %sub3A_91 = vector.broadcast %sub3A_90 : i32 to vector<16xi32>
    %sub3A_92 = arith.subi %add3A_71, %sub3A_91 : vector<16xi32>
    %sub3A_93 = arith.subi %sub3A_92, %gather3A : vector<16xi32>
    %jit3A_94 = arith.constant 0 : i32
    %jit3A_95 = arith.constant 15 : i32
    %max3A_96 = vector.broadcast %jit3A_94 : i32 to vector<16xi32>
    %max3A_97 = arith.maxsi %max3A_96, %sub3A_93 : vector<16xi32>
    %min3A_98 = vector.broadcast %jit3A_95 : i32 to vector<16xi32>
    %min3A_99 = arith.minsi %min3A_98, %max3A_97 : vector<16xi32>
    %gather3A_100 = tpu.vector_load_idx %arg10[%min3A_99] : memref<16xi32, #tpu.memory_space<vmem>>[vector<16xi32>], vector<16xi32>,
    %select_n3A_101 = arith.select %and3A_77, %gather3A_100, %gather3A_89 : vector<16xi1>, vector<16xi32>
    %swap3A_102 = arith.constant 16 : index
    %swap3A_103 = tpu.vector_load %arg12[%swap3A_102] {strides = array<i32>} : memref<48xi32, #tpu.memory_space<vmem>>, vector<16xi32>,
    tpu.vector_store %arg12[%swap3A_102], %select_n3A_101 {strides = array<i32>} : memref<48xi32, #tpu.memory_space<vmem>>, vector<16xi32>,
    %swap3A_104 = arith.constant 16 : index
    %swap3A_105 = tpu.vector_load %arg11[%swap3A_104] {strides = array<i32>} : memref<48xi32, #tpu.memory_space<vmem>>, vector<16xi32>,
    tpu.vector_store %arg11[%swap3A_104], %gather3A_89 {strides = array<i32>} : memref<48xi32, #tpu.memory_space<vmem>>, vector<16xi32>,
    %add3A_106 = arith.constant 32 : i32
    %add3A_107 = arith.addi %mul3A_32, %add3A_106 : i32
    %add3A_108 = vector.broadcast %add3A_107 : i32 to vector<16xi32>
    %add3A_109 = arith.addi %add3A_108, %iota3A : vector<16xi32>
    %gt3A_110 = arith.cmpi sgt, %add3A_109, %gather3A : vector<16xi32>
    %add3A_111 = arith.constant 16 : i32
    %add3A_112 = vector.broadcast %add3A_111 : i32 to vector<16xi32>
    %add3A_113 = arith.addi %gather3A, %add3A_112 : vector<16xi32>
    %le3A_114 = arith.cmpi sle, %add3A_109, %add3A_113 : vector<16xi32>
    %and3A_115 = arith.andi %gt3A_110, %le3A_114 : vector<16xi1>
    %le3A_116 = arith.cmpi sle, %add3A_109, %gather3A : vector<16xi32>
    %sub3A_117 = arith.constant 16 : i32
    %sub3A_118 = vector.broadcast %sub3A_117 : i32 to vector<16xi32>
    %sub3A_119 = arith.subi %add3A_109, %sub3A_118 : vector<16xi32>
    %select_n3A_120 = arith.select %le3A_116, %add3A_109, %sub3A_119 : vector<16xi1>, vector<16xi32>
    %jit3A_121 = arith.constant 0 : i32
    %jit3A_122 = arith.constant 76 : i32
    %max3A_123 = vector.broadcast %jit3A_121 : i32 to vector<16xi32>
    %max3A_124 = arith.maxsi %max3A_123, %select_n3A_120 : vector<16xi32>
    %min3A_125 = vector.broadcast %jit3A_122 : i32 to vector<16xi32>
    %min3A_126 = arith.minsi %min3A_125, %max3A_124 : vector<16xi32>
    %gather3A_127 = tpu.vector_load_idx %arg8[%min3A_126] : memref<96xi32, #tpu.memory_space<vmem>>[vector<16xi32>], vector<16xi32>,
    %sub3A_128 = arith.constant 1 : i32
    %sub3A_129 = vector.broadcast %sub3A_128 : i32 to vector<16xi32>
    %sub3A_130 = arith.subi %add3A_109, %sub3A_129 : vector<16xi32>
    %sub3A_131 = arith.subi %sub3A_130, %gather3A : vector<16xi32>
    %jit3A_132 = arith.constant 0 : i32
    %jit3A_133 = arith.constant 15 : i32
    %max3A_134 = vector.broadcast %jit3A_132 : i32 to vector<16xi32>
    %max3A_135 = arith.maxsi %max3A_134, %sub3A_131 : vector<16xi32>
    %min3A_136 = vector.broadcast %jit3A_133 : i32 to vector<16xi32>
    %min3A_137 = arith.minsi %min3A_136, %max3A_135 : vector<16xi32>
    %gather3A_138 = tpu.vector_load_idx %arg10[%min3A_137] : memref<16xi32, #tpu.memory_space<vmem>>[vector<16xi32>], vector<16xi32>,
    %select_n3A_139 = arith.select %and3A_115, %gather3A_138, %gather3A_127 : vector<16xi1>, vector<16xi32>
    %swap3A_140 = arith.constant 32 : index
    %swap3A_141 = tpu.vector_load %arg12[%swap3A_140] {strides = array<i32>} : memref<48xi32, #tpu.memory_space<vmem>>, vector<16xi32>,
    tpu.vector_store %arg12[%swap3A_140], %select_n3A_139 {strides = array<i32>} : memref<48xi32, #tpu.memory_space<vmem>>, vector<16xi32>,
    %swap3A_142 = arith.constant 32 : index
    %swap3A_143 = tpu.vector_load %arg11[%swap3A_142] {strides = array<i32>} : memref<48xi32, #tpu.memory_space<vmem>>, vector<16xi32>,
    tpu.vector_store %arg11[%swap3A_142], %gather3A_127 {strides = array<i32>} : memref<48xi32, #tpu.memory_space<vmem>>, vector<16xi32>,
    %dma_start3A = arith.constant 0 : i32
    %dma_start3A_144 = arith.constant 0 : i32
    %dma_start3A_145 = tpu.memref_slice %arg5[%dma_start3A, %dma_start3A_144] : memref<49408x512xf32, #tpu.memory_space<hbm>> -> memref<49408x512xf32, #tpu.memory_space<hbm>>
    tpu.enqueue_indirect_dma source(%dma_start3A_145 : memref<49408x512xf32, #tpu.memory_space<hbm>>) target(%arg13 : memref<48x512xf32, #tpu.memory_space<vmem>>) offsets(%arg11 : memref<48xi32, #tpu.memory_space<vmem>>) semaphore(%arg14 : memref<!tpu.dma_semaphore, #tpu.memory_space<semaphore_mem>>)
    %dma_wait3A = arith.constant 0 : i32
    %dma_wait3A_146 = arith.constant 0 : i32
    %dma_wait3A_147 = tpu.memref_slice %arg5[%dma_wait3A, %dma_wait3A_146] : memref<49408x512xf32, #tpu.memory_space<hbm>> -> memref<49408x512xf32, #tpu.memory_space<hbm>>
    tpu.wait_indirect_dma semaphore(%arg14 : memref<!tpu.dma_semaphore, #tpu.memory_space<semaphore_mem>>) src(%dma_wait3A_147 : memref<49408x512xf32, #tpu.memory_space<hbm>>) dst(%arg13 : memref<48x512xf32, #tpu.memory_space<vmem>>)
    "tpu.region"() ({
      %run_scoped3A = tpu.sem_alloc : memref<!tpu.dma_semaphore, #tpu.memory_space<semaphore_mem>>
      %dma_start3A_151 = arith.constant 0 : i32
      %dma_start3A_152 = tpu.memref_slice %arg6[%select_n3A, %mul3A_32, %dma_start3A_151] : memref<16x96x512xf32, #tpu.memory_space<hbm>> -> memref<1x48x512xf32, #tpu.memory_space<hbm>>
      %dma_start3A_153 = tpu.memref_squeeze %dma_start3A_152 : memref<1x48x512xf32, #tpu.memory_space<hbm>> -> memref<48x512xf32, #tpu.memory_space<hbm>>
      %dma_start3A_154 = arith.constant 0 : i32
      %dma_start3A_155 = tpu.memref_slice %arg6[%select_n3A, %mul3A_32, %dma_start3A_154] : memref<16x96x512xf32, #tpu.memory_space<hbm>> -> memref<1x48x512xf32, #tpu.memory_space<hbm>>
      %dma_start3A_156 = tpu.memref_squeeze %dma_start3A_155 : memref<1x48x512xf32, #tpu.memory_space<hbm>> -> memref<48x512xf32, #tpu.memory_space<hbm>>
      tpu.enqueue_dma source(%arg13 : memref<48x512xf32, #tpu.memory_space<vmem>>) target(%dma_start3A_156 : memref<48x512xf32, #tpu.memory_space<hbm>>) target_semaphore(%run_scoped3A : memref<!tpu.dma_semaphore, #tpu.memory_space<semaphore_mem>>)
      %dma_wait3A_157 = arith.constant 0 : i32
      %dma_wait3A_158 = tpu.memref_slice %arg6[%select_n3A, %mul3A_32, %dma_wait3A_157] : memref<16x96x512xf32, #tpu.memory_space<hbm>> -> memref<1x48x512xf32, #tpu.memory_space<hbm>>
      %dma_wait3A_159 = tpu.memref_squeeze %dma_wait3A_158 : memref<1x48x512xf32, #tpu.memory_space<hbm>> -> memref<48x512xf32, #tpu.memory_space<hbm>>
      %dma_wait3A_160 = arith.constant 0 : i32
      %dma_wait3A_161 = tpu.memref_slice %arg6[%select_n3A, %mul3A_32, %dma_wait3A_160] : memref<16x96x512xf32, #tpu.memory_space<hbm>> -> memref<1x48x512xf32, #tpu.memory_space<hbm>>
      %dma_wait3A_162 = tpu.memref_squeeze %dma_wait3A_161 : memref<1x48x512xf32, #tpu.memory_space<hbm>> -> memref<48x512xf32, #tpu.memory_space<hbm>>
      tpu.wait_dma2 semaphore(%run_scoped3A : memref<!tpu.dma_semaphore, #tpu.memory_space<semaphore_mem>>) src(%arg13 : memref<48x512xf32, #tpu.memory_space<vmem>>) dst(%dma_wait3A_162 : memref<48x512xf32, #tpu.memory_space<hbm>>)
      tpu.yield
    }) : () -> ()
    %mul3A_148 = arith.constant 96 : i32
    %mul3A_149 = arith.muli %select_n3A, %mul3A_148 : i32
    %add3A_150 = arith.addi %mul3A_149, %mul3A_32 : i32
    "tpu.region"() ({
      %run_scoped3A = tpu.sem_alloc : memref<!tpu.dma_semaphore, #tpu.memory_space<semaphore_mem>>
      %dma_start3A_151 = tpu.memref_slice %arg7[%add3A_150] : memref<1536xi32, #tpu.memory_space<hbm>> -> memref<48xi32, #tpu.memory_space<hbm>>
      %dma_start3A_152 = tpu.memref_slice %arg7[%add3A_150] : memref<1536xi32, #tpu.memory_space<hbm>> -> memref<48xi32, #tpu.memory_space<hbm>>
      tpu.enqueue_dma source(%arg12 : memref<48xi32, #tpu.memory_space<vmem>>) target(%dma_start3A_152 : memref<48xi32, #tpu.memory_space<hbm>>) target_semaphore(%run_scoped3A : memref<!tpu.dma_semaphore, #tpu.memory_space<semaphore_mem>>)
      %dma_wait3A_153 = tpu.memref_slice %arg7[%add3A_150] : memref<1536xi32, #tpu.memory_space<hbm>> -> memref<48xi32, #tpu.memory_space<hbm>>
      %dma_wait3A_154 = tpu.memref_slice %arg7[%add3A_150] : memref<1536xi32, #tpu.memory_space<hbm>> -> memref<48xi32, #tpu.memory_space<hbm>>
      tpu.wait_dma2 semaphore(%run_scoped3A : memref<!tpu.dma_semaphore, #tpu.memory_space<semaphore_mem>>) src(%arg12 : memref<48xi32, #tpu.memory_space<vmem>>) dst(%dma_wait3A_154 : memref<48xi32, #tpu.memory_space<hbm>>)
      tpu.yield
    }) : () -> ()
    return
  }
}

module attributes {stable_mosaic.version = 14 : i64} {
  func.func @_tc_splice_body(%arg0: i32, %arg1: memref<16xi32, #tpu.memory_space<smem>>, %arg2: memref<1x96x512xf32, #tpu.memory_space<vmem>>, %arg3: memref<64x16x512xf32, #tpu.memory_space<vmem>>, %arg4: memref<16x64x77x512xf32, #tpu.memory_space<hbm>>, %arg5: memref<16x77x512xf32, #tpu.memory_space<vmem>>, %arg6: memref<16x77x512xf32, #tpu.memory_space<vmem>>, %arg7: memref<16x77x512xf32, #tpu.memory_space<vmem>>, %arg8: memref<16x77x512xf32, #tpu.memory_space<vmem>>, %arg9: memref<!tpu.dma_semaphore, #tpu.memory_space<semaphore_mem>>, %arg10: memref<!tpu.dma_semaphore, #tpu.memory_space<semaphore_mem>>, %arg11: memref<!tpu.dma_semaphore, #tpu.memory_space<semaphore_mem>>, %arg12: memref<!tpu.dma_semaphore, #tpu.memory_space<semaphore_mem>>) attributes {dimension_semantics = [#tpu.dimension_semantics<arbitrary>], iteration_bounds = array<i64: 16>, scalar_prefetch = 0 : i64, scratch_operands = 8 : i64, tpu.core_type = #tpu.core_type<tc>, window_params = [{transform_indices = @transform_0, window_bounds = array<i64: 16>}, {transform_indices = @transform_1, window_bounds = array<i64: 1, 96, 512>}, {pipeline_mode = #tpu.pipeline_mode<synchronous>, transform_indices = @transform_2, window_bounds = array<i64: 64, 16, 512>}, {}]} {
    %get3A = arith.index_cast %arg0 : i32 to index
    %get3A_0 = memref.load %arg1[%get3A] : memref<16xi32, #tpu.memory_space<smem>>
    %get3A_1 = arith.constant 0 : index
    %get3A_2 = arith.constant 0 : index
    %get3A_3 = arith.constant 0 : index
    %get3A_4 = vector.load %arg2[%get3A_1, %get3A_2, %get3A_3] : memref<1x96x512xf32, #tpu.memory_space<vmem>>, vector<1x77x512xf32>
    %get3A_5 = vector.shape_cast %get3A_4 : vector<1x77x512xf32> to vector<77x512xf32>
    %gt3A = arith.constant 0 : i32
    %gt3A_6 = arith.cmpi sgt, %arg0, %gt3A : i32
    %convert_element_type3A = arith.extui %gt3A_6 : i1 to i32
    %cond3A = arith.constant 0 : i32
    %cond3A_7 = arith.cmpi ne, %convert_element_type3A, %cond3A : i32
    scf.if %cond3A_7 {
      %sub3A = arith.constant 1 : i32
      %sub3A_248 = arith.subi %arg0, %sub3A : i32
      %dma_wait3A = arith.constant 0 : i32
      %dma_wait3A_249 = arith.constant 0 : i32
      %dma_wait3A_250 = arith.constant 0 : i32
      %dma_wait3A_251 = tpu.memref_slice %arg4[%sub3A_248, %dma_wait3A, %dma_wait3A_249, %dma_wait3A_250] : memref<16x64x77x512xf32, #tpu.memory_space<hbm>> -> memref<1x16x77x512xf32, #tpu.memory_space<hbm>>
      %dma_wait3A_252 = tpu.memref_squeeze %dma_wait3A_251 : memref<1x16x77x512xf32, #tpu.memory_space<hbm>> -> memref<16x77x512xf32, #tpu.memory_space<hbm>>
      tpu.wait_dma2 semaphore(%arg9 : memref<!tpu.dma_semaphore, #tpu.memory_space<semaphore_mem>>) src(%arg5 : memref<16x77x512xf32, #tpu.memory_space<vmem>>) dst(%dma_wait3A_252 : memref<16x77x512xf32, #tpu.memory_space<hbm>>)
    } else {
    }
    %broadcast_in_dim3A = vector.shape_cast %get3A_5 : vector<77x512xf32> to vector<1x77x512xf32>
    %broadcast_in_dim3A_8 = vector.shape_cast %broadcast_in_dim3A : vector<1x77x512xf32> to vector<1x77x512xf32>
    %broadcast_in_dim3A_9 = vector.broadcast %broadcast_in_dim3A_8 : vector<1x77x512xf32> to vector<16x77x512xf32>
    %swap3A = arith.constant 0 : index
    %swap3A_10 = arith.constant 0 : index
    %swap3A_11 = arith.constant 0 : index
    %swap3A_12 = vector.load %arg5[%swap3A, %swap3A_10, %swap3A_11] : memref<16x77x512xf32, #tpu.memory_space<vmem>>, vector<16x77x512xf32>
    tpu.vector_store %arg5[%swap3A, %swap3A_10, %swap3A_11], %broadcast_in_dim3A_9 {strides = array<i32>} : memref<16x77x512xf32, #tpu.memory_space<vmem>>, vector<16x77x512xf32>,
    %get3A_13 = arith.constant 0 : index
    %get3A_14 = arith.constant 0 : index
    %get3A_15 = arith.constant 0 : index
    %get3A_16 = vector.load %arg3[%get3A_13, %get3A_14, %get3A_15] : memref<64x16x512xf32, #tpu.memory_space<vmem>>, vector<16x16x512xf32>
    %eq3A = arith.constant 0 : i32
    %eq3A_17 = arith.cmpi eq, %get3A_0, %eq3A : i32
    %convert_element_type3A_18 = arith.extui %eq3A_17 : i1 to i32
    %cond3A_19 = arith.constant 0 : i32
    %cond3A_20 = arith.cmpi ne, %convert_element_type3A_18, %cond3A_19 : i32
    scf.if %cond3A_20 {
      %swap3A_248 = arith.constant 0 : index
      %swap3A_249 = arith.constant 1 : index
      %swap3A_250 = arith.constant 0 : index
      %swap3A_251 = vector.load %arg5[%swap3A_248, %swap3A_249, %swap3A_250] : memref<16x77x512xf32, #tpu.memory_space<vmem>>, vector<16x16x512xf32>
      tpu.vector_store %arg5[%swap3A_248, %swap3A_249, %swap3A_250], %get3A_16 {strides = array<i32>} : memref<16x77x512xf32, #tpu.memory_space<vmem>>, vector<16x16x512xf32>,
    } else {
    }
    %eq3A_21 = arith.constant 1 : i32
    %eq3A_22 = arith.cmpi eq, %get3A_0, %eq3A_21 : i32
    %convert_element_type3A_23 = arith.extui %eq3A_22 : i1 to i32
    %cond3A_24 = arith.constant 0 : i32
    %cond3A_25 = arith.cmpi ne, %convert_element_type3A_23, %cond3A_24 : i32
    scf.if %cond3A_25 {
      %swap3A_248 = arith.constant 0 : index
      %swap3A_249 = arith.constant 2 : index
      %swap3A_250 = arith.constant 0 : index
      %swap3A_251 = vector.load %arg5[%swap3A_248, %swap3A_249, %swap3A_250] : memref<16x77x512xf32, #tpu.memory_space<vmem>>, vector<16x16x512xf32>
      tpu.vector_store %arg5[%swap3A_248, %swap3A_249, %swap3A_250], %get3A_16 {strides = array<i32>} : memref<16x77x512xf32, #tpu.memory_space<vmem>>, vector<16x16x512xf32>,
    } else {
    }
    %eq3A_26 = arith.constant 2 : i32
    %eq3A_27 = arith.cmpi eq, %get3A_0, %eq3A_26 : i32
    %convert_element_type3A_28 = arith.extui %eq3A_27 : i1 to i32
    %cond3A_29 = arith.constant 0 : i32
    %cond3A_30 = arith.cmpi ne, %convert_element_type3A_28, %cond3A_29 : i32
    scf.if %cond3A_30 {
      %swap3A_248 = arith.constant 0 : index
      %swap3A_249 = arith.constant 3 : index
      %swap3A_250 = arith.constant 0 : index
      %swap3A_251 = vector.load %arg5[%swap3A_248, %swap3A_249, %swap3A_250] : memref<16x77x512xf32, #tpu.memory_space<vmem>>, vector<16x16x512xf32>
      tpu.vector_store %arg5[%swap3A_248, %swap3A_249, %swap3A_250], %get3A_16 {strides = array<i32>} : memref<16x77x512xf32, #tpu.memory_space<vmem>>, vector<16x16x512xf32>,
    } else {
    }
    %eq3A_31 = arith.constant 3 : i32
    %eq3A_32 = arith.cmpi eq, %get3A_0, %eq3A_31 : i32
    %convert_element_type3A_33 = arith.extui %eq3A_32 : i1 to i32
    %cond3A_34 = arith.constant 0 : i32
    %cond3A_35 = arith.cmpi ne, %convert_element_type3A_33, %cond3A_34 : i32
    scf.if %cond3A_35 {
      %swap3A_248 = arith.constant 0 : index
      %swap3A_249 = arith.constant 4 : index
      %swap3A_250 = arith.constant 0 : index
      %swap3A_251 = vector.load %arg5[%swap3A_248, %swap3A_249, %swap3A_250] : memref<16x77x512xf32, #tpu.memory_space<vmem>>, vector<16x16x512xf32>
      tpu.vector_store %arg5[%swap3A_248, %swap3A_249, %swap3A_250], %get3A_16 {strides = array<i32>} : memref<16x77x512xf32, #tpu.memory_space<vmem>>, vector<16x16x512xf32>,
    } else {
    }
    %eq3A_36 = arith.constant 4 : i32
    %eq3A_37 = arith.cmpi eq, %get3A_0, %eq3A_36 : i32
    %convert_element_type3A_38 = arith.extui %eq3A_37 : i1 to i32
    %cond3A_39 = arith.constant 0 : i32
    %cond3A_40 = arith.cmpi ne, %convert_element_type3A_38, %cond3A_39 : i32
    scf.if %cond3A_40 {
      %swap3A_248 = arith.constant 0 : index
      %swap3A_249 = arith.constant 5 : index
      %swap3A_250 = arith.constant 0 : index
      %swap3A_251 = vector.load %arg5[%swap3A_248, %swap3A_249, %swap3A_250] : memref<16x77x512xf32, #tpu.memory_space<vmem>>, vector<16x16x512xf32>
      tpu.vector_store %arg5[%swap3A_248, %swap3A_249, %swap3A_250], %get3A_16 {strides = array<i32>} : memref<16x77x512xf32, #tpu.memory_space<vmem>>, vector<16x16x512xf32>,
    } else {
    }
    %eq3A_41 = arith.constant 5 : i32
    %eq3A_42 = arith.cmpi eq, %get3A_0, %eq3A_41 : i32
    %convert_element_type3A_43 = arith.extui %eq3A_42 : i1 to i32
    %cond3A_44 = arith.constant 0 : i32
    %cond3A_45 = arith.cmpi ne, %convert_element_type3A_43, %cond3A_44 : i32
    scf.if %cond3A_45 {
      %swap3A_248 = arith.constant 0 : index
      %swap3A_249 = arith.constant 6 : index
      %swap3A_250 = arith.constant 0 : index
      %swap3A_251 = vector.load %arg5[%swap3A_248, %swap3A_249, %swap3A_250] : memref<16x77x512xf32, #tpu.memory_space<vmem>>, vector<16x16x512xf32>
      tpu.vector_store %arg5[%swap3A_248, %swap3A_249, %swap3A_250], %get3A_16 {strides = array<i32>} : memref<16x77x512xf32, #tpu.memory_space<vmem>>, vector<16x16x512xf32>,
    } else {
    }
    %eq3A_46 = arith.constant 6 : i32
    %eq3A_47 = arith.cmpi eq, %get3A_0, %eq3A_46 : i32
    %convert_element_type3A_48 = arith.extui %eq3A_47 : i1 to i32
    %cond3A_49 = arith.constant 0 : i32
    %cond3A_50 = arith.cmpi ne, %convert_element_type3A_48, %cond3A_49 : i32
    scf.if %cond3A_50 {
      %swap3A_248 = arith.constant 0 : index
      %swap3A_249 = arith.constant 7 : index
      %swap3A_250 = arith.constant 0 : index
      %swap3A_251 = vector.load %arg5[%swap3A_248, %swap3A_249, %swap3A_250] : memref<16x77x512xf32, #tpu.memory_space<vmem>>, vector<16x16x512xf32>
      tpu.vector_store %arg5[%swap3A_248, %swap3A_249, %swap3A_250], %get3A_16 {strides = array<i32>} : memref<16x77x512xf32, #tpu.memory_space<vmem>>, vector<16x16x512xf32>,
    } else {
    }
    %eq3A_51 = arith.constant 7 : i32
    %eq3A_52 = arith.cmpi eq, %get3A_0, %eq3A_51 : i32
    %convert_element_type3A_53 = arith.extui %eq3A_52 : i1 to i32
    %cond3A_54 = arith.constant 0 : i32
    %cond3A_55 = arith.cmpi ne, %convert_element_type3A_53, %cond3A_54 : i32
    scf.if %cond3A_55 {
      %swap3A_248 = arith.constant 0 : index
      %swap3A_249 = arith.constant 8 : index
      %swap3A_250 = arith.constant 0 : index
      %swap3A_251 = vector.load %arg5[%swap3A_248, %swap3A_249, %swap3A_250] : memref<16x77x512xf32, #tpu.memory_space<vmem>>, vector<16x16x512xf32>
      tpu.vector_store %arg5[%swap3A_248, %swap3A_249, %swap3A_250], %get3A_16 {strides = array<i32>} : memref<16x77x512xf32, #tpu.memory_space<vmem>>, vector<16x16x512xf32>,
    } else {
    }
    %dma_start3A = arith.constant 0 : i32
    %dma_start3A_56 = arith.constant 0 : i32
    %dma_start3A_57 = arith.constant 0 : i32
    %dma_start3A_58 = tpu.memref_slice %arg4[%arg0, %dma_start3A, %dma_start3A_56, %dma_start3A_57] : memref<16x64x77x512xf32, #tpu.memory_space<hbm>> -> memref<1x16x77x512xf32, #tpu.memory_space<hbm>>
    %dma_start3A_59 = tpu.memref_squeeze %dma_start3A_58 : memref<1x16x77x512xf32, #tpu.memory_space<hbm>> -> memref<16x77x512xf32, #tpu.memory_space<hbm>>
    tpu.enqueue_dma source(%arg5 : memref<16x77x512xf32, #tpu.memory_space<vmem>>) target(%dma_start3A_59 : memref<16x77x512xf32, #tpu.memory_space<hbm>>) target_semaphore(%arg9 : memref<!tpu.dma_semaphore, #tpu.memory_space<semaphore_mem>>)
    %gt3A_60 = arith.constant 0 : i32
    %gt3A_61 = arith.cmpi sgt, %arg0, %gt3A_60 : i32
    %convert_element_type3A_62 = arith.extui %gt3A_61 : i1 to i32
    %cond3A_63 = arith.constant 0 : i32
    %cond3A_64 = arith.cmpi ne, %convert_element_type3A_62, %cond3A_63 : i32
    scf.if %cond3A_64 {
      %sub3A = arith.constant 1 : i32
      %sub3A_248 = arith.subi %arg0, %sub3A : i32
      %dma_wait3A = arith.constant 16 : i32
      %dma_wait3A_249 = arith.constant 0 : i32
      %dma_wait3A_250 = arith.constant 0 : i32
      %dma_wait3A_251 = tpu.memref_slice %arg4[%sub3A_248, %dma_wait3A, %dma_wait3A_249, %dma_wait3A_250] : memref<16x64x77x512xf32, #tpu.memory_space<hbm>> -> memref<1x16x77x512xf32, #tpu.memory_space<hbm>>
      %dma_wait3A_252 = tpu.memref_squeeze %dma_wait3A_251 : memref<1x16x77x512xf32, #tpu.memory_space<hbm>> -> memref<16x77x512xf32, #tpu.memory_space<hbm>>
      tpu.wait_dma2 semaphore(%arg10 : memref<!tpu.dma_semaphore, #tpu.memory_space<semaphore_mem>>) src(%arg6 : memref<16x77x512xf32, #tpu.memory_space<vmem>>) dst(%dma_wait3A_252 : memref<16x77x512xf32, #tpu.memory_space<hbm>>)
    } else {
    }
    %broadcast_in_dim3A_65 = vector.shape_cast %get3A_5 : vector<77x512xf32> to vector<1x77x512xf32>
    %broadcast_in_dim3A_66 = vector.shape_cast %broadcast_in_dim3A_65 : vector<1x77x512xf32> to vector<1x77x512xf32>
    %broadcast_in_dim3A_67 = vector.broadcast %broadcast_in_dim3A_66 : vector<1x77x512xf32> to vector<16x77x512xf32>
    %swap3A_68 = arith.constant 0 : index
    %swap3A_69 = arith.constant 0 : index
    %swap3A_70 = arith.constant 0 : index
    %swap3A_71 = vector.load %arg6[%swap3A_68, %swap3A_69, %swap3A_70] : memref<16x77x512xf32, #tpu.memory_space<vmem>>, vector<16x77x512xf32>
    tpu.vector_store %arg6[%swap3A_68, %swap3A_69, %swap3A_70], %broadcast_in_dim3A_67 {strides = array<i32>} : memref<16x77x512xf32, #tpu.memory_space<vmem>>, vector<16x77x512xf32>,
    %get3A_72 = arith.constant 16 : index
    %get3A_73 = arith.constant 0 : index
    %get3A_74 = arith.constant 0 : index
    %get3A_75 = vector.load %arg3[%get3A_72, %get3A_73, %get3A_74] : memref<64x16x512xf32, #tpu.memory_space<vmem>>, vector<16x16x512xf32>
    %eq3A_76 = arith.constant 0 : i32
    %eq3A_77 = arith.cmpi eq, %get3A_0, %eq3A_76 : i32
    %convert_element_type3A_78 = arith.extui %eq3A_77 : i1 to i32
    %cond3A_79 = arith.constant 0 : i32
    %cond3A_80 = arith.cmpi ne, %convert_element_type3A_78, %cond3A_79 : i32
    scf.if %cond3A_80 {
      %swap3A_248 = arith.constant 0 : index
      %swap3A_249 = arith.constant 1 : index
      %swap3A_250 = arith.constant 0 : index
      %swap3A_251 = vector.load %arg6[%swap3A_248, %swap3A_249, %swap3A_250] : memref<16x77x512xf32, #tpu.memory_space<vmem>>, vector<16x16x512xf32>
      tpu.vector_store %arg6[%swap3A_248, %swap3A_249, %swap3A_250], %get3A_75 {strides = array<i32>} : memref<16x77x512xf32, #tpu.memory_space<vmem>>, vector<16x16x512xf32>,
    } else {
    }
    %eq3A_81 = arith.constant 1 : i32
    %eq3A_82 = arith.cmpi eq, %get3A_0, %eq3A_81 : i32
    %convert_element_type3A_83 = arith.extui %eq3A_82 : i1 to i32
    %cond3A_84 = arith.constant 0 : i32
    %cond3A_85 = arith.cmpi ne, %convert_element_type3A_83, %cond3A_84 : i32
    scf.if %cond3A_85 {
      %swap3A_248 = arith.constant 0 : index
      %swap3A_249 = arith.constant 2 : index
      %swap3A_250 = arith.constant 0 : index
      %swap3A_251 = vector.load %arg6[%swap3A_248, %swap3A_249, %swap3A_250] : memref<16x77x512xf32, #tpu.memory_space<vmem>>, vector<16x16x512xf32>
      tpu.vector_store %arg6[%swap3A_248, %swap3A_249, %swap3A_250], %get3A_75 {strides = array<i32>} : memref<16x77x512xf32, #tpu.memory_space<vmem>>, vector<16x16x512xf32>,
    } else {
    }
    %eq3A_86 = arith.constant 2 : i32
    %eq3A_87 = arith.cmpi eq, %get3A_0, %eq3A_86 : i32
    %convert_element_type3A_88 = arith.extui %eq3A_87 : i1 to i32
    %cond3A_89 = arith.constant 0 : i32
    %cond3A_90 = arith.cmpi ne, %convert_element_type3A_88, %cond3A_89 : i32
    scf.if %cond3A_90 {
      %swap3A_248 = arith.constant 0 : index
      %swap3A_249 = arith.constant 3 : index
      %swap3A_250 = arith.constant 0 : index
      %swap3A_251 = vector.load %arg6[%swap3A_248, %swap3A_249, %swap3A_250] : memref<16x77x512xf32, #tpu.memory_space<vmem>>, vector<16x16x512xf32>
      tpu.vector_store %arg6[%swap3A_248, %swap3A_249, %swap3A_250], %get3A_75 {strides = array<i32>} : memref<16x77x512xf32, #tpu.memory_space<vmem>>, vector<16x16x512xf32>,
    } else {
    }
    %eq3A_91 = arith.constant 3 : i32
    %eq3A_92 = arith.cmpi eq, %get3A_0, %eq3A_91 : i32
    %convert_element_type3A_93 = arith.extui %eq3A_92 : i1 to i32
    %cond3A_94 = arith.constant 0 : i32
    %cond3A_95 = arith.cmpi ne, %convert_element_type3A_93, %cond3A_94 : i32
    scf.if %cond3A_95 {
      %swap3A_248 = arith.constant 0 : index
      %swap3A_249 = arith.constant 4 : index
      %swap3A_250 = arith.constant 0 : index
      %swap3A_251 = vector.load %arg6[%swap3A_248, %swap3A_249, %swap3A_250] : memref<16x77x512xf32, #tpu.memory_space<vmem>>, vector<16x16x512xf32>
      tpu.vector_store %arg6[%swap3A_248, %swap3A_249, %swap3A_250], %get3A_75 {strides = array<i32>} : memref<16x77x512xf32, #tpu.memory_space<vmem>>, vector<16x16x512xf32>,
    } else {
    }
    %eq3A_96 = arith.constant 4 : i32
    %eq3A_97 = arith.cmpi eq, %get3A_0, %eq3A_96 : i32
    %convert_element_type3A_98 = arith.extui %eq3A_97 : i1 to i32
    %cond3A_99 = arith.constant 0 : i32
    %cond3A_100 = arith.cmpi ne, %convert_element_type3A_98, %cond3A_99 : i32
    scf.if %cond3A_100 {
      %swap3A_248 = arith.constant 0 : index
      %swap3A_249 = arith.constant 5 : index
      %swap3A_250 = arith.constant 0 : index
      %swap3A_251 = vector.load %arg6[%swap3A_248, %swap3A_249, %swap3A_250] : memref<16x77x512xf32, #tpu.memory_space<vmem>>, vector<16x16x512xf32>
      tpu.vector_store %arg6[%swap3A_248, %swap3A_249, %swap3A_250], %get3A_75 {strides = array<i32>} : memref<16x77x512xf32, #tpu.memory_space<vmem>>, vector<16x16x512xf32>,
    } else {
    }
    %eq3A_101 = arith.constant 5 : i32
    %eq3A_102 = arith.cmpi eq, %get3A_0, %eq3A_101 : i32
    %convert_element_type3A_103 = arith.extui %eq3A_102 : i1 to i32
    %cond3A_104 = arith.constant 0 : i32
    %cond3A_105 = arith.cmpi ne, %convert_element_type3A_103, %cond3A_104 : i32
    scf.if %cond3A_105 {
      %swap3A_248 = arith.constant 0 : index
      %swap3A_249 = arith.constant 6 : index
      %swap3A_250 = arith.constant 0 : index
      %swap3A_251 = vector.load %arg6[%swap3A_248, %swap3A_249, %swap3A_250] : memref<16x77x512xf32, #tpu.memory_space<vmem>>, vector<16x16x512xf32>
      tpu.vector_store %arg6[%swap3A_248, %swap3A_249, %swap3A_250], %get3A_75 {strides = array<i32>} : memref<16x77x512xf32, #tpu.memory_space<vmem>>, vector<16x16x512xf32>,
    } else {
    }
    %eq3A_106 = arith.constant 6 : i32
    %eq3A_107 = arith.cmpi eq, %get3A_0, %eq3A_106 : i32
    %convert_element_type3A_108 = arith.extui %eq3A_107 : i1 to i32
    %cond3A_109 = arith.constant 0 : i32
    %cond3A_110 = arith.cmpi ne, %convert_element_type3A_108, %cond3A_109 : i32
    scf.if %cond3A_110 {
      %swap3A_248 = arith.constant 0 : index
      %swap3A_249 = arith.constant 7 : index
      %swap3A_250 = arith.constant 0 : index
      %swap3A_251 = vector.load %arg6[%swap3A_248, %swap3A_249, %swap3A_250] : memref<16x77x512xf32, #tpu.memory_space<vmem>>, vector<16x16x512xf32>
      tpu.vector_store %arg6[%swap3A_248, %swap3A_249, %swap3A_250], %get3A_75 {strides = array<i32>} : memref<16x77x512xf32, #tpu.memory_space<vmem>>, vector<16x16x512xf32>,
    } else {
    }
    %eq3A_111 = arith.constant 7 : i32
    %eq3A_112 = arith.cmpi eq, %get3A_0, %eq3A_111 : i32
    %convert_element_type3A_113 = arith.extui %eq3A_112 : i1 to i32
    %cond3A_114 = arith.constant 0 : i32
    %cond3A_115 = arith.cmpi ne, %convert_element_type3A_113, %cond3A_114 : i32
    scf.if %cond3A_115 {
      %swap3A_248 = arith.constant 0 : index
      %swap3A_249 = arith.constant 8 : index
      %swap3A_250 = arith.constant 0 : index
      %swap3A_251 = vector.load %arg6[%swap3A_248, %swap3A_249, %swap3A_250] : memref<16x77x512xf32, #tpu.memory_space<vmem>>, vector<16x16x512xf32>
      tpu.vector_store %arg6[%swap3A_248, %swap3A_249, %swap3A_250], %get3A_75 {strides = array<i32>} : memref<16x77x512xf32, #tpu.memory_space<vmem>>, vector<16x16x512xf32>,
    } else {
    }
    %dma_start3A_116 = arith.constant 16 : i32
    %dma_start3A_117 = arith.constant 0 : i32
    %dma_start3A_118 = arith.constant 0 : i32
    %dma_start3A_119 = tpu.memref_slice %arg4[%arg0, %dma_start3A_116, %dma_start3A_117, %dma_start3A_118] : memref<16x64x77x512xf32, #tpu.memory_space<hbm>> -> memref<1x16x77x512xf32, #tpu.memory_space<hbm>>
    %dma_start3A_120 = tpu.memref_squeeze %dma_start3A_119 : memref<1x16x77x512xf32, #tpu.memory_space<hbm>> -> memref<16x77x512xf32, #tpu.memory_space<hbm>>
    tpu.enqueue_dma source(%arg6 : memref<16x77x512xf32, #tpu.memory_space<vmem>>) target(%dma_start3A_120 : memref<16x77x512xf32, #tpu.memory_space<hbm>>) target_semaphore(%arg10 : memref<!tpu.dma_semaphore, #tpu.memory_space<semaphore_mem>>)
    %gt3A_121 = arith.constant 0 : i32
    %gt3A_122 = arith.cmpi sgt, %arg0, %gt3A_121 : i32
    %convert_element_type3A_123 = arith.extui %gt3A_122 : i1 to i32
    %cond3A_124 = arith.constant 0 : i32
    %cond3A_125 = arith.cmpi ne, %convert_element_type3A_123, %cond3A_124 : i32
    scf.if %cond3A_125 {
      %sub3A = arith.constant 1 : i32
      %sub3A_248 = arith.subi %arg0, %sub3A : i32
      %dma_wait3A = arith.constant 32 : i32
      %dma_wait3A_249 = arith.constant 0 : i32
      %dma_wait3A_250 = arith.constant 0 : i32
      %dma_wait3A_251 = tpu.memref_slice %arg4[%sub3A_248, %dma_wait3A, %dma_wait3A_249, %dma_wait3A_250] : memref<16x64x77x512xf32, #tpu.memory_space<hbm>> -> memref<1x16x77x512xf32, #tpu.memory_space<hbm>>
      %dma_wait3A_252 = tpu.memref_squeeze %dma_wait3A_251 : memref<1x16x77x512xf32, #tpu.memory_space<hbm>> -> memref<16x77x512xf32, #tpu.memory_space<hbm>>
      tpu.wait_dma2 semaphore(%arg11 : memref<!tpu.dma_semaphore, #tpu.memory_space<semaphore_mem>>) src(%arg7 : memref<16x77x512xf32, #tpu.memory_space<vmem>>) dst(%dma_wait3A_252 : memref<16x77x512xf32, #tpu.memory_space<hbm>>)
    } else {
    }
    %broadcast_in_dim3A_126 = vector.shape_cast %get3A_5 : vector<77x512xf32> to vector<1x77x512xf32>
    %broadcast_in_dim3A_127 = vector.shape_cast %broadcast_in_dim3A_126 : vector<1x77x512xf32> to vector<1x77x512xf32>
    %broadcast_in_dim3A_128 = vector.broadcast %broadcast_in_dim3A_127 : vector<1x77x512xf32> to vector<16x77x512xf32>
    %swap3A_129 = arith.constant 0 : index
    %swap3A_130 = arith.constant 0 : index
    %swap3A_131 = arith.constant 0 : index
    %swap3A_132 = vector.load %arg7[%swap3A_129, %swap3A_130, %swap3A_131] : memref<16x77x512xf32, #tpu.memory_space<vmem>>, vector<16x77x512xf32>
    tpu.vector_store %arg7[%swap3A_129, %swap3A_130, %swap3A_131], %broadcast_in_dim3A_128 {strides = array<i32>} : memref<16x77x512xf32, #tpu.memory_space<vmem>>, vector<16x77x512xf32>,
    %get3A_133 = arith.constant 32 : index
    %get3A_134 = arith.constant 0 : index
    %get3A_135 = arith.constant 0 : index
    %get3A_136 = vector.load %arg3[%get3A_133, %get3A_134, %get3A_135] : memref<64x16x512xf32, #tpu.memory_space<vmem>>, vector<16x16x512xf32>
    %eq3A_137 = arith.constant 0 : i32
    %eq3A_138 = arith.cmpi eq, %get3A_0, %eq3A_137 : i32
    %convert_element_type3A_139 = arith.extui %eq3A_138 : i1 to i32
    %cond3A_140 = arith.constant 0 : i32
    %cond3A_141 = arith.cmpi ne, %convert_element_type3A_139, %cond3A_140 : i32
    scf.if %cond3A_141 {
      %swap3A_248 = arith.constant 0 : index
      %swap3A_249 = arith.constant 1 : index
      %swap3A_250 = arith.constant 0 : index
      %swap3A_251 = vector.load %arg7[%swap3A_248, %swap3A_249, %swap3A_250] : memref<16x77x512xf32, #tpu.memory_space<vmem>>, vector<16x16x512xf32>
      tpu.vector_store %arg7[%swap3A_248, %swap3A_249, %swap3A_250], %get3A_136 {strides = array<i32>} : memref<16x77x512xf32, #tpu.memory_space<vmem>>, vector<16x16x512xf32>,
    } else {
    }
    %eq3A_142 = arith.constant 1 : i32
    %eq3A_143 = arith.cmpi eq, %get3A_0, %eq3A_142 : i32
    %convert_element_type3A_144 = arith.extui %eq3A_143 : i1 to i32
    %cond3A_145 = arith.constant 0 : i32
    %cond3A_146 = arith.cmpi ne, %convert_element_type3A_144, %cond3A_145 : i32
    scf.if %cond3A_146 {
      %swap3A_248 = arith.constant 0 : index
      %swap3A_249 = arith.constant 2 : index
      %swap3A_250 = arith.constant 0 : index
      %swap3A_251 = vector.load %arg7[%swap3A_248, %swap3A_249, %swap3A_250] : memref<16x77x512xf32, #tpu.memory_space<vmem>>, vector<16x16x512xf32>
      tpu.vector_store %arg7[%swap3A_248, %swap3A_249, %swap3A_250], %get3A_136 {strides = array<i32>} : memref<16x77x512xf32, #tpu.memory_space<vmem>>, vector<16x16x512xf32>,
    } else {
    }
    %eq3A_147 = arith.constant 2 : i32
    %eq3A_148 = arith.cmpi eq, %get3A_0, %eq3A_147 : i32
    %convert_element_type3A_149 = arith.extui %eq3A_148 : i1 to i32
    %cond3A_150 = arith.constant 0 : i32
    %cond3A_151 = arith.cmpi ne, %convert_element_type3A_149, %cond3A_150 : i32
    scf.if %cond3A_151 {
      %swap3A_248 = arith.constant 0 : index
      %swap3A_249 = arith.constant 3 : index
      %swap3A_250 = arith.constant 0 : index
      %swap3A_251 = vector.load %arg7[%swap3A_248, %swap3A_249, %swap3A_250] : memref<16x77x512xf32, #tpu.memory_space<vmem>>, vector<16x16x512xf32>
      tpu.vector_store %arg7[%swap3A_248, %swap3A_249, %swap3A_250], %get3A_136 {strides = array<i32>} : memref<16x77x512xf32, #tpu.memory_space<vmem>>, vector<16x16x512xf32>,
    } else {
    }
    %eq3A_152 = arith.constant 3 : i32
    %eq3A_153 = arith.cmpi eq, %get3A_0, %eq3A_152 : i32
    %convert_element_type3A_154 = arith.extui %eq3A_153 : i1 to i32
    %cond3A_155 = arith.constant 0 : i32
    %cond3A_156 = arith.cmpi ne, %convert_element_type3A_154, %cond3A_155 : i32
    scf.if %cond3A_156 {
      %swap3A_248 = arith.constant 0 : index
      %swap3A_249 = arith.constant 4 : index
      %swap3A_250 = arith.constant 0 : index
      %swap3A_251 = vector.load %arg7[%swap3A_248, %swap3A_249, %swap3A_250] : memref<16x77x512xf32, #tpu.memory_space<vmem>>, vector<16x16x512xf32>
      tpu.vector_store %arg7[%swap3A_248, %swap3A_249, %swap3A_250], %get3A_136 {strides = array<i32>} : memref<16x77x512xf32, #tpu.memory_space<vmem>>, vector<16x16x512xf32>,
    } else {
    }
    %eq3A_157 = arith.constant 4 : i32
    %eq3A_158 = arith.cmpi eq, %get3A_0, %eq3A_157 : i32
    %convert_element_type3A_159 = arith.extui %eq3A_158 : i1 to i32
    %cond3A_160 = arith.constant 0 : i32
    %cond3A_161 = arith.cmpi ne, %convert_element_type3A_159, %cond3A_160 : i32
    scf.if %cond3A_161 {
      %swap3A_248 = arith.constant 0 : index
      %swap3A_249 = arith.constant 5 : index
      %swap3A_250 = arith.constant 0 : index
      %swap3A_251 = vector.load %arg7[%swap3A_248, %swap3A_249, %swap3A_250] : memref<16x77x512xf32, #tpu.memory_space<vmem>>, vector<16x16x512xf32>
      tpu.vector_store %arg7[%swap3A_248, %swap3A_249, %swap3A_250], %get3A_136 {strides = array<i32>} : memref<16x77x512xf32, #tpu.memory_space<vmem>>, vector<16x16x512xf32>,
    } else {
    }
    %eq3A_162 = arith.constant 5 : i32
    %eq3A_163 = arith.cmpi eq, %get3A_0, %eq3A_162 : i32
    %convert_element_type3A_164 = arith.extui %eq3A_163 : i1 to i32
    %cond3A_165 = arith.constant 0 : i32
    %cond3A_166 = arith.cmpi ne, %convert_element_type3A_164, %cond3A_165 : i32
    scf.if %cond3A_166 {
      %swap3A_248 = arith.constant 0 : index
      %swap3A_249 = arith.constant 6 : index
      %swap3A_250 = arith.constant 0 : index
      %swap3A_251 = vector.load %arg7[%swap3A_248, %swap3A_249, %swap3A_250] : memref<16x77x512xf32, #tpu.memory_space<vmem>>, vector<16x16x512xf32>
      tpu.vector_store %arg7[%swap3A_248, %swap3A_249, %swap3A_250], %get3A_136 {strides = array<i32>} : memref<16x77x512xf32, #tpu.memory_space<vmem>>, vector<16x16x512xf32>,
    } else {
    }
    %eq3A_167 = arith.constant 6 : i32
    %eq3A_168 = arith.cmpi eq, %get3A_0, %eq3A_167 : i32
    %convert_element_type3A_169 = arith.extui %eq3A_168 : i1 to i32
    %cond3A_170 = arith.constant 0 : i32
    %cond3A_171 = arith.cmpi ne, %convert_element_type3A_169, %cond3A_170 : i32
    scf.if %cond3A_171 {
      %swap3A_248 = arith.constant 0 : index
      %swap3A_249 = arith.constant 7 : index
      %swap3A_250 = arith.constant 0 : index
      %swap3A_251 = vector.load %arg7[%swap3A_248, %swap3A_249, %swap3A_250] : memref<16x77x512xf32, #tpu.memory_space<vmem>>, vector<16x16x512xf32>
      tpu.vector_store %arg7[%swap3A_248, %swap3A_249, %swap3A_250], %get3A_136 {strides = array<i32>} : memref<16x77x512xf32, #tpu.memory_space<vmem>>, vector<16x16x512xf32>,
    } else {
    }
    %eq3A_172 = arith.constant 7 : i32
    %eq3A_173 = arith.cmpi eq, %get3A_0, %eq3A_172 : i32
    %convert_element_type3A_174 = arith.extui %eq3A_173 : i1 to i32
    %cond3A_175 = arith.constant 0 : i32
    %cond3A_176 = arith.cmpi ne, %convert_element_type3A_174, %cond3A_175 : i32
    scf.if %cond3A_176 {
      %swap3A_248 = arith.constant 0 : index
      %swap3A_249 = arith.constant 8 : index
      %swap3A_250 = arith.constant 0 : index
      %swap3A_251 = vector.load %arg7[%swap3A_248, %swap3A_249, %swap3A_250] : memref<16x77x512xf32, #tpu.memory_space<vmem>>, vector<16x16x512xf32>
      tpu.vector_store %arg7[%swap3A_248, %swap3A_249, %swap3A_250], %get3A_136 {strides = array<i32>} : memref<16x77x512xf32, #tpu.memory_space<vmem>>, vector<16x16x512xf32>,
    } else {
    }
    %dma_start3A_177 = arith.constant 32 : i32
    %dma_start3A_178 = arith.constant 0 : i32
    %dma_start3A_179 = arith.constant 0 : i32
    %dma_start3A_180 = tpu.memref_slice %arg4[%arg0, %dma_start3A_177, %dma_start3A_178, %dma_start3A_179] : memref<16x64x77x512xf32, #tpu.memory_space<hbm>> -> memref<1x16x77x512xf32, #tpu.memory_space<hbm>>
    %dma_start3A_181 = tpu.memref_squeeze %dma_start3A_180 : memref<1x16x77x512xf32, #tpu.memory_space<hbm>> -> memref<16x77x512xf32, #tpu.memory_space<hbm>>
    tpu.enqueue_dma source(%arg7 : memref<16x77x512xf32, #tpu.memory_space<vmem>>) target(%dma_start3A_181 : memref<16x77x512xf32, #tpu.memory_space<hbm>>) target_semaphore(%arg11 : memref<!tpu.dma_semaphore, #tpu.memory_space<semaphore_mem>>)
    %gt3A_182 = arith.constant 0 : i32
    %gt3A_183 = arith.cmpi sgt, %arg0, %gt3A_182 : i32
    %convert_element_type3A_184 = arith.extui %gt3A_183 : i1 to i32
    %cond3A_185 = arith.constant 0 : i32
    %cond3A_186 = arith.cmpi ne, %convert_element_type3A_184, %cond3A_185 : i32
    scf.if %cond3A_186 {
      %sub3A = arith.constant 1 : i32
      %sub3A_248 = arith.subi %arg0, %sub3A : i32
      %dma_wait3A = arith.constant 48 : i32
      %dma_wait3A_249 = arith.constant 0 : i32
      %dma_wait3A_250 = arith.constant 0 : i32
      %dma_wait3A_251 = tpu.memref_slice %arg4[%sub3A_248, %dma_wait3A, %dma_wait3A_249, %dma_wait3A_250] : memref<16x64x77x512xf32, #tpu.memory_space<hbm>> -> memref<1x16x77x512xf32, #tpu.memory_space<hbm>>
      %dma_wait3A_252 = tpu.memref_squeeze %dma_wait3A_251 : memref<1x16x77x512xf32, #tpu.memory_space<hbm>> -> memref<16x77x512xf32, #tpu.memory_space<hbm>>
      tpu.wait_dma2 semaphore(%arg12 : memref<!tpu.dma_semaphore, #tpu.memory_space<semaphore_mem>>) src(%arg8 : memref<16x77x512xf32, #tpu.memory_space<vmem>>) dst(%dma_wait3A_252 : memref<16x77x512xf32, #tpu.memory_space<hbm>>)
    } else {
    }
    %broadcast_in_dim3A_187 = vector.shape_cast %get3A_5 : vector<77x512xf32> to vector<1x77x512xf32>
    %broadcast_in_dim3A_188 = vector.shape_cast %broadcast_in_dim3A_187 : vector<1x77x512xf32> to vector<1x77x512xf32>
    %broadcast_in_dim3A_189 = vector.broadcast %broadcast_in_dim3A_188 : vector<1x77x512xf32> to vector<16x77x512xf32>
    %swap3A_190 = arith.constant 0 : index
    %swap3A_191 = arith.constant 0 : index
    %swap3A_192 = arith.constant 0 : index
    %swap3A_193 = vector.load %arg8[%swap3A_190, %swap3A_191, %swap3A_192] : memref<16x77x512xf32, #tpu.memory_space<vmem>>, vector<16x77x512xf32>
    tpu.vector_store %arg8[%swap3A_190, %swap3A_191, %swap3A_192], %broadcast_in_dim3A_189 {strides = array<i32>} : memref<16x77x512xf32, #tpu.memory_space<vmem>>, vector<16x77x512xf32>,
    %get3A_194 = arith.constant 48 : index
    %get3A_195 = arith.constant 0 : index
    %get3A_196 = arith.constant 0 : index
    %get3A_197 = vector.load %arg3[%get3A_194, %get3A_195, %get3A_196] : memref<64x16x512xf32, #tpu.memory_space<vmem>>, vector<16x16x512xf32>
    %eq3A_198 = arith.constant 0 : i32
    %eq3A_199 = arith.cmpi eq, %get3A_0, %eq3A_198 : i32
    %convert_element_type3A_200 = arith.extui %eq3A_199 : i1 to i32
    %cond3A_201 = arith.constant 0 : i32
    %cond3A_202 = arith.cmpi ne, %convert_element_type3A_200, %cond3A_201 : i32
    scf.if %cond3A_202 {
      %swap3A_248 = arith.constant 0 : index
      %swap3A_249 = arith.constant 1 : index
      %swap3A_250 = arith.constant 0 : index
      %swap3A_251 = vector.load %arg8[%swap3A_248, %swap3A_249, %swap3A_250] : memref<16x77x512xf32, #tpu.memory_space<vmem>>, vector<16x16x512xf32>
      tpu.vector_store %arg8[%swap3A_248, %swap3A_249, %swap3A_250], %get3A_197 {strides = array<i32>} : memref<16x77x512xf32, #tpu.memory_space<vmem>>, vector<16x16x512xf32>,
    } else {
    }
    %eq3A_203 = arith.constant 1 : i32
    %eq3A_204 = arith.cmpi eq, %get3A_0, %eq3A_203 : i32
    %convert_element_type3A_205 = arith.extui %eq3A_204 : i1 to i32
    %cond3A_206 = arith.constant 0 : i32
    %cond3A_207 = arith.cmpi ne, %convert_element_type3A_205, %cond3A_206 : i32
    scf.if %cond3A_207 {
      %swap3A_248 = arith.constant 0 : index
      %swap3A_249 = arith.constant 2 : index
      %swap3A_250 = arith.constant 0 : index
      %swap3A_251 = vector.load %arg8[%swap3A_248, %swap3A_249, %swap3A_250] : memref<16x77x512xf32, #tpu.memory_space<vmem>>, vector<16x16x512xf32>
      tpu.vector_store %arg8[%swap3A_248, %swap3A_249, %swap3A_250], %get3A_197 {strides = array<i32>} : memref<16x77x512xf32, #tpu.memory_space<vmem>>, vector<16x16x512xf32>,
    } else {
    }
    %eq3A_208 = arith.constant 2 : i32
    %eq3A_209 = arith.cmpi eq, %get3A_0, %eq3A_208 : i32
    %convert_element_type3A_210 = arith.extui %eq3A_209 : i1 to i32
    %cond3A_211 = arith.constant 0 : i32
    %cond3A_212 = arith.cmpi ne, %convert_element_type3A_210, %cond3A_211 : i32
    scf.if %cond3A_212 {
      %swap3A_248 = arith.constant 0 : index
      %swap3A_249 = arith.constant 3 : index
      %swap3A_250 = arith.constant 0 : index
      %swap3A_251 = vector.load %arg8[%swap3A_248, %swap3A_249, %swap3A_250] : memref<16x77x512xf32, #tpu.memory_space<vmem>>, vector<16x16x512xf32>
      tpu.vector_store %arg8[%swap3A_248, %swap3A_249, %swap3A_250], %get3A_197 {strides = array<i32>} : memref<16x77x512xf32, #tpu.memory_space<vmem>>, vector<16x16x512xf32>,
    } else {
    }
    %eq3A_213 = arith.constant 3 : i32
    %eq3A_214 = arith.cmpi eq, %get3A_0, %eq3A_213 : i32
    %convert_element_type3A_215 = arith.extui %eq3A_214 : i1 to i32
    %cond3A_216 = arith.constant 0 : i32
    %cond3A_217 = arith.cmpi ne, %convert_element_type3A_215, %cond3A_216 : i32
    scf.if %cond3A_217 {
      %swap3A_248 = arith.constant 0 : index
      %swap3A_249 = arith.constant 4 : index
      %swap3A_250 = arith.constant 0 : index
      %swap3A_251 = vector.load %arg8[%swap3A_248, %swap3A_249, %swap3A_250] : memref<16x77x512xf32, #tpu.memory_space<vmem>>, vector<16x16x512xf32>
      tpu.vector_store %arg8[%swap3A_248, %swap3A_249, %swap3A_250], %get3A_197 {strides = array<i32>} : memref<16x77x512xf32, #tpu.memory_space<vmem>>, vector<16x16x512xf32>,
    } else {
    }
    %eq3A_218 = arith.constant 4 : i32
    %eq3A_219 = arith.cmpi eq, %get3A_0, %eq3A_218 : i32
    %convert_element_type3A_220 = arith.extui %eq3A_219 : i1 to i32
    %cond3A_221 = arith.constant 0 : i32
    %cond3A_222 = arith.cmpi ne, %convert_element_type3A_220, %cond3A_221 : i32
    scf.if %cond3A_222 {
      %swap3A_248 = arith.constant 0 : index
      %swap3A_249 = arith.constant 5 : index
      %swap3A_250 = arith.constant 0 : index
      %swap3A_251 = vector.load %arg8[%swap3A_248, %swap3A_249, %swap3A_250] : memref<16x77x512xf32, #tpu.memory_space<vmem>>, vector<16x16x512xf32>
      tpu.vector_store %arg8[%swap3A_248, %swap3A_249, %swap3A_250], %get3A_197 {strides = array<i32>} : memref<16x77x512xf32, #tpu.memory_space<vmem>>, vector<16x16x512xf32>,
    } else {
    }
    %eq3A_223 = arith.constant 5 : i32
    %eq3A_224 = arith.cmpi eq, %get3A_0, %eq3A_223 : i32
    %convert_element_type3A_225 = arith.extui %eq3A_224 : i1 to i32
    %cond3A_226 = arith.constant 0 : i32
    %cond3A_227 = arith.cmpi ne, %convert_element_type3A_225, %cond3A_226 : i32
    scf.if %cond3A_227 {
      %swap3A_248 = arith.constant 0 : index
      %swap3A_249 = arith.constant 6 : index
      %swap3A_250 = arith.constant 0 : index
      %swap3A_251 = vector.load %arg8[%swap3A_248, %swap3A_249, %swap3A_250] : memref<16x77x512xf32, #tpu.memory_space<vmem>>, vector<16x16x512xf32>
      tpu.vector_store %arg8[%swap3A_248, %swap3A_249, %swap3A_250], %get3A_197 {strides = array<i32>} : memref<16x77x512xf32, #tpu.memory_space<vmem>>, vector<16x16x512xf32>,
    } else {
    }
    %eq3A_228 = arith.constant 6 : i32
    %eq3A_229 = arith.cmpi eq, %get3A_0, %eq3A_228 : i32
    %convert_element_type3A_230 = arith.extui %eq3A_229 : i1 to i32
    %cond3A_231 = arith.constant 0 : i32
    %cond3A_232 = arith.cmpi ne, %convert_element_type3A_230, %cond3A_231 : i32
    scf.if %cond3A_232 {
      %swap3A_248 = arith.constant 0 : index
      %swap3A_249 = arith.constant 7 : index
      %swap3A_250 = arith.constant 0 : index
      %swap3A_251 = vector.load %arg8[%swap3A_248, %swap3A_249, %swap3A_250] : memref<16x77x512xf32, #tpu.memory_space<vmem>>, vector<16x16x512xf32>
      tpu.vector_store %arg8[%swap3A_248, %swap3A_249, %swap3A_250], %get3A_197 {strides = array<i32>} : memref<16x77x512xf32, #tpu.memory_space<vmem>>, vector<16x16x512xf32>,
    } else {
    }
    %eq3A_233 = arith.constant 7 : i32
    %eq3A_234 = arith.cmpi eq, %get3A_0, %eq3A_233 : i32
    %convert_element_type3A_235 = arith.extui %eq3A_234 : i1 to i32
    %cond3A_236 = arith.constant 0 : i32
    %cond3A_237 = arith.cmpi ne, %convert_element_type3A_235, %cond3A_236 : i32
    scf.if %cond3A_237 {
      %swap3A_248 = arith.constant 0 : index
      %swap3A_249 = arith.constant 8 : index
      %swap3A_250 = arith.constant 0 : index
      %swap3A_251 = vector.load %arg8[%swap3A_248, %swap3A_249, %swap3A_250] : memref<16x77x512xf32, #tpu.memory_space<vmem>>, vector<16x16x512xf32>
      tpu.vector_store %arg8[%swap3A_248, %swap3A_249, %swap3A_250], %get3A_197 {strides = array<i32>} : memref<16x77x512xf32, #tpu.memory_space<vmem>>, vector<16x16x512xf32>,
    } else {
    }
    %dma_start3A_238 = arith.constant 48 : i32
    %dma_start3A_239 = arith.constant 0 : i32
    %dma_start3A_240 = arith.constant 0 : i32
    %dma_start3A_241 = tpu.memref_slice %arg4[%arg0, %dma_start3A_238, %dma_start3A_239, %dma_start3A_240] : memref<16x64x77x512xf32, #tpu.memory_space<hbm>> -> memref<1x16x77x512xf32, #tpu.memory_space<hbm>>
    %dma_start3A_242 = tpu.memref_squeeze %dma_start3A_241 : memref<1x16x77x512xf32, #tpu.memory_space<hbm>> -> memref<16x77x512xf32, #tpu.memory_space<hbm>>
    tpu.enqueue_dma source(%arg8 : memref<16x77x512xf32, #tpu.memory_space<vmem>>) target(%dma_start3A_242 : memref<16x77x512xf32, #tpu.memory_space<hbm>>) target_semaphore(%arg12 : memref<!tpu.dma_semaphore, #tpu.memory_space<semaphore_mem>>)
    %eq3A_243 = arith.constant 15 : i32
    %eq3A_244 = arith.cmpi eq, %arg0, %eq3A_243 : i32
    %convert_element_type3A_245 = arith.extui %eq3A_244 : i1 to i32
    %cond3A_246 = arith.constant 0 : i32
    %cond3A_247 = arith.cmpi ne, %convert_element_type3A_245, %cond3A_246 : i32
    scf.if %cond3A_247 {
      %dma_wait3A = arith.constant 0 : i32
      %dma_wait3A_248 = arith.constant 0 : i32
      %dma_wait3A_249 = arith.constant 0 : i32
      %dma_wait3A_250 = tpu.memref_slice %arg4[%arg0, %dma_wait3A, %dma_wait3A_248, %dma_wait3A_249] : memref<16x64x77x512xf32, #tpu.memory_space<hbm>> -> memref<1x16x77x512xf32, #tpu.memory_space<hbm>>
      %dma_wait3A_251 = tpu.memref_squeeze %dma_wait3A_250 : memref<1x16x77x512xf32, #tpu.memory_space<hbm>> -> memref<16x77x512xf32, #tpu.memory_space<hbm>>
      tpu.wait_dma2 semaphore(%arg9 : memref<!tpu.dma_semaphore, #tpu.memory_space<semaphore_mem>>) src(%arg5 : memref<16x77x512xf32, #tpu.memory_space<vmem>>) dst(%dma_wait3A_251 : memref<16x77x512xf32, #tpu.memory_space<hbm>>)
      %dma_wait3A_252 = arith.constant 16 : i32
      %dma_wait3A_253 = arith.constant 0 : i32
      %dma_wait3A_254 = arith.constant 0 : i32
      %dma_wait3A_255 = tpu.memref_slice %arg4[%arg0, %dma_wait3A_252, %dma_wait3A_253, %dma_wait3A_254] : memref<16x64x77x512xf32, #tpu.memory_space<hbm>> -> memref<1x16x77x512xf32, #tpu.memory_space<hbm>>
      %dma_wait3A_256 = tpu.memref_squeeze %dma_wait3A_255 : memref<1x16x77x512xf32, #tpu.memory_space<hbm>> -> memref<16x77x512xf32, #tpu.memory_space<hbm>>
      tpu.wait_dma2 semaphore(%arg10 : memref<!tpu.dma_semaphore, #tpu.memory_space<semaphore_mem>>) src(%arg6 : memref<16x77x512xf32, #tpu.memory_space<vmem>>) dst(%dma_wait3A_256 : memref<16x77x512xf32, #tpu.memory_space<hbm>>)
      %dma_wait3A_257 = arith.constant 32 : i32
      %dma_wait3A_258 = arith.constant 0 : i32
      %dma_wait3A_259 = arith.constant 0 : i32
      %dma_wait3A_260 = tpu.memref_slice %arg4[%arg0, %dma_wait3A_257, %dma_wait3A_258, %dma_wait3A_259] : memref<16x64x77x512xf32, #tpu.memory_space<hbm>> -> memref<1x16x77x512xf32, #tpu.memory_space<hbm>>
      %dma_wait3A_261 = tpu.memref_squeeze %dma_wait3A_260 : memref<1x16x77x512xf32, #tpu.memory_space<hbm>> -> memref<16x77x512xf32, #tpu.memory_space<hbm>>
      tpu.wait_dma2 semaphore(%arg11 : memref<!tpu.dma_semaphore, #tpu.memory_space<semaphore_mem>>) src(%arg7 : memref<16x77x512xf32, #tpu.memory_space<vmem>>) dst(%dma_wait3A_261 : memref<16x77x512xf32, #tpu.memory_space<hbm>>)
      %dma_wait3A_262 = arith.constant 48 : i32
      %dma_wait3A_263 = arith.constant 0 : i32
      %dma_wait3A_264 = arith.constant 0 : i32
      %dma_wait3A_265 = tpu.memref_slice %arg4[%arg0, %dma_wait3A_262, %dma_wait3A_263, %dma_wait3A_264] : memref<16x64x77x512xf32, #tpu.memory_space<hbm>> -> memref<1x16x77x512xf32, #tpu.memory_space<hbm>>
      %dma_wait3A_266 = tpu.memref_squeeze %dma_wait3A_265 : memref<1x16x77x512xf32, #tpu.memory_space<hbm>> -> memref<16x77x512xf32, #tpu.memory_space<hbm>>
      tpu.wait_dma2 semaphore(%arg12 : memref<!tpu.dma_semaphore, #tpu.memory_space<semaphore_mem>>) src(%arg8 : memref<16x77x512xf32, #tpu.memory_space<vmem>>) dst(%dma_wait3A_266 : memref<16x77x512xf32, #tpu.memory_space<hbm>>)
    } else {
    }
    return
  }
  func.func @transform_0(%arg0: i32) -> i32 {
    %c0_i32 = arith.constant 0 : i32
    %c0_i32_0 = arith.constant 0 : i32
    return %c0_i32 : i32
  }
  func.func @transform_1(%arg0: i32) -> (i32, i32, i32) {
    %c0_i32 = arith.constant 0 : i32
    %c0_i32_0 = arith.constant 0 : i32
    %c0_i32_1 = arith.constant 0 : i32
    return %arg0, %c0_i32, %c0_i32_0 : i32, i32, i32
  }
  func.func @transform_2(%arg0: i32) -> (i32, i32, i32) {
    %c0_i32 = arith.constant 0 : i32
    %c0_i32_0 = arith.constant 0 : i32
    %c0_i32_1 = arith.constant 0 : i32
    %c0_i32_2 = arith.constant 0 : i32
    return %c0_i32, %c0_i32_0, %c0_i32_1 : i32, i32, i32
  }
}

</mosaic_0001>

<sc_bundles>
// kernel: kernel.4.cloned.1.call-start
scs
__scs_entry_jumppad:
0x0: {  	(pc) =	sbr.rel $0x88, $3  }
0x1: {  	(tag) =	ssettag $0x0;
	lr =	simm.s32 $0x1  }
0x2: {  	[smem:$0x3F9C] =	sst lr;
	_ =	strace $0xD0000000  }
0x3: {  	_ = 	snop  }
0x4: {  	_ = 	snop  }
0x5: {  	_ = 	snop  }
0x6: {  	_ = 	snop  }
0x7: {  	_ = 	snop  }
__scs_overlays_trampoline_lowered:
0x8: {  	[smem:$0x3FAB] =	sst s0  }
0x9: {  	[smem:$0x3FAC] =	sst s1  }
0xa: {  	[smem:$0x3FAD] =	sst s2  }
0xb: {  	[smem:$0x3FAE] =	sst s3  }
0xc: {  	[smem:$0x3FAF] =	sst s4  }
0xd: {  	[smem:$0x3FB0] =	sst s5  }
0xe: {  	[smem:$0x3FB1] =	sst s6  }
0xf: {  	[smem:$0x3FB2] =	sst s7  }
0x10: {  	[smem:$0x3FB3] =	sst s8  }
0x11: {  	[smem:$0x3FB4] =	sst s9;
	s0 =	simm.s32 @!p0 $0x0  }
0x12: {  	s1 =	sld [smem:$0x3F9A];
	s0 =	simm.s32 @p0 $0x1  }
0x13: {  	[smem:$0x3FB5] =	sst s0;
	s0 =	simm.s32 @!p1 $0x0  }
0x14: {  	s2 =	sld [smem:$0x3F99];
	s0 =	simm.s32 @p1 $0x1  }
0x15: {  	[smem:$0x3FB6] =	sst s0;
	s0 =	simm.s32 @!p2 $0x0  }
0x16: {  	s3 =	sld [smem:$0x3FDB];
	s0 =	simm.s32 @p2 $0x1  }
0x17: {  	s4 =	simm.s32 $0x1BF5;
	[smem:$0x3FB8] =	sst s0  }
0x18: {  	s0 =	sld [smem:$0x3F9B];
	_ =	swait.ge [sflag:s4], $0x0  }
0x19: {  	s7 =	sld [smem:$0x3F9C]  }
0x1a: {  	s8 =	sadd.s32 $0xFFFFE003, lr  }
0x1b: {  	s9 =	sadd.s32 $0xFFFFFEF7, lr;
	s5 =	simm.s32 $0xFFFFFFFF;
	p2 =	slt.u32 s8, $0xFFFFF086  }
0x1c: {  	p1 =	slt.u32 s9, $0xF7A;
	s5 =	simm.s32 @!p2 $0x0  }
0x1d: {  	s5 =	simm.s32 @p1 $0x1;
	p0 =	seq.s32 s7, s2  }
0x1e: {  	s7 =	smul.u32 @!p0 $0xF7A, s2;
	p2 =	seq.s32 @!p0 s5, $0x0  }
0x1f: {  	s9 =	smul.u32 $0xF7A, s1;
	s8 =	simm.s32 @!p0 $0x1BF5;
	p2 =	por !p2, p0  }
0x20: {  	[sflag:s8] =	ssyncset.s32 @!p0 $0xFFFFF086;
	s6 =	sadd.s32 @!p0 s3, s7;
	s7 =	simm.s32 @!p0 $0x108  }
0x21: {  	s3 =	sadd.s32 s3, s9;
	s6 =	sadd.s32 @!p0 $0x88, s6;
	s7 =	simm.s32 @p2 $0x1082  }
0x22: {  	[simem:s7], [sflag:s8] =	dma.local @!p0 [hbm:s6], $0xF7A  }
0x23: {  	s9 =	sor.u32 $0xD0000000, s2;
	s6 =	simm.s32 $0x108;
	_ =	swait.ge @!p0 [sflag:s8], $0x0  }
0x24: {  	s3 =	sadd.s32 $0x88, s3;
	s6 =	simm.s32 @!p1 $0x1082;
	[sflag:s4] =	ssyncset.s32 $0xFFFFF086  }
0x25: {  	[simem:s6], [sflag:s4] =	dma.local [hbm:s3], $0xF7A  }
0x26: {  	[smem:$0x3F9C] =	sst s1;
	(tag) =	ssettag s2;
	_ =	strace s9  }
0x27: {  	s1 =	sld [smem:$0x3FAC]  }
0x28: {  	s2 =	sld [smem:$0x3FAD]  }
0x29: {  	s4 =	sld [smem:$0x3FAF]  }
0x2a: {  	p0 =	seq.s32 s5, $0x0;
	s5 =	sld [smem:$0x3FB0]  }
0x2b: {  	s6 =	sld [smem:$0x3FB1]  }
0x2c: {  	s7 =	sld [smem:$0x3FB2]  }
0x2d: {  	s3 =	simm.s32 $0x108;
	s8 =	sld [smem:$0x3FB3]  }
0x2e: {  	s3 =	simm.s32 @!p0 $0x1082;
	s9 =	sld [smem:$0x3FB4]  }
0x2f: {  	lr =	sadd.s32 s0, s3;
	s0 =	sld [smem:$0x3FAB]  }
0x30: {  	s3 =	sld [smem:$0x3FAE]  }
0x31: {  	[smem:$0x3FB7] =	sst s10  }
0x32: {  	s10 =	sld [smem:$0x3FB5];
	_ =	sdelay $0x3  }
0x33: {  	p0 =	seq.s32 s10, $0x1;
	s10 =	sld [smem:$0x3FB7];
	_ =	sdelay $0x3  }
0x34: {  	[smem:$0x3FB7] =	sst s10  }
0x35: {  	s10 =	sld [smem:$0x3FB6];
	_ =	sdelay $0x3  }
0x36: {  	p1 =	seq.s32 s10, $0x1;
	s10 =	sld [smem:$0x3FB7];
	_ =	sdelay $0x3  }
0x37: {  	[smem:$0x3FB7] =	sst s10  }
0x38: {  	s10 =	sld [smem:$0x3FB8]  }
0x39: {  	_ = 	snop;
	(pc) =	sbr.ind lr, $3  }
0x3a: {  	_ = 	snop  }
0x3b: {  	_ = 	snop  }
0x3c: {  	p2 =	seq.s32 s10, $0x1;
	s10 =	sld [smem:$0x3FB7]  }
0x3d: {  	_ =	shalt  }
0x3e: {  	_ =	shalt  }
0x3f: {  	_ =	shalt  }
0x40: {  	_ =	shalt  }
0x41: {  	_ =	shalt  }
0x42: {  	_ =	shalt  }
0x43: {  	_ =	shalt  }
0x44: {  	_ =	shalt  }
0x45: {  	_ =	shalt  }
0x46: {  	_ =	shalt  }
0x47: {  	_ =	shalt  }
0x48: {  	_ =	shalt  }
0x49: {  	_ =	shalt  }
0x4a: {  	_ =	shalt  }
0x4b: {  	_ =	shalt  }
0x4c: {  	_ =	shalt  }
0x4d: {  	_ =	shalt  }
0x4e: {  	_ =	shalt  }
0x4f: {  	_ =	shalt  }
0x50: {  	_ =	shalt  }
0x51: {  	_ =	shalt  }
0x52: {  	_ =	shalt  }
0x53: {  	_ =	shalt  }
0x54: {  	_ =	shalt  }
0x55: {  	_ =	shalt  }
0x56: {  	_ =	shalt  }
0x57: {  	_ =	shalt  }
0x58: {  	_ =	shalt  }
0x59: {  	_ =	shalt  }
0x5a: {  	_ =	shalt  }
0x5b: {  	_ =	shalt  }
0x5c: {  	_ =	shalt  }
0x5d: {  	_ =	shalt  }
0x5e: {  	_ =	shalt  }
0x5f: {  	_ =	shalt  }
0x60: {  	_ =	shalt  }
0x61: {  	_ =	shalt  }
0x62: {  	_ =	shalt  }
0x63: {  	_ =	shalt  }
0x64: {  	_ =	shalt  }
0x65: {  	_ =	shalt  }
0x66: {  	_ =	shalt  }
0x67: {  	_ =	shalt  }
0x68: {  	_ =	shalt  }
0x69: {  	_ =	shalt  }
0x6a: {  	_ =	shalt  }
0x6b: {  	_ =	shalt  }
0x6c: {  	_ =	shalt  }
0x6d: {  	_ =	shalt  }
0x6e: {  	_ =	shalt  }
0x6f: {  	_ =	shalt  }
0x70: {  	_ =	shalt  }
0x71: {  	_ =	shalt  }
0x72: {  	_ =	shalt  }
0x73: {  	_ =	shalt  }
0x74: {  	_ =	shalt  }
0x75: {  	_ =	shalt  }
0x76: {  	_ =	shalt  }
0x77: {  	_ =	shalt  }
0x78: {  	_ =	shalt  }
0x79: {  	_ =	shalt  }
0x7a: {  	_ =	shalt  }
0x7b: {  	_ =	shalt  }
0x7c: {  	_ =	shalt  }
0x7d: {  	_ =	shalt  }
0x7e: {  	_ =	shalt  }
0x7f: {  	_ =	shalt  }
0x80: {  	_ =	shalt  }
0x81: {  	_ =	shalt  }
0x82: {  	_ =	shalt  }
0x83: {  	_ =	shalt  }
0x84: {  	_ =	shalt  }
0x85: {  	_ =	shalt  }
0x86: {  	_ =	shalt  }
0x87: {  	_ =	shalt  }
.Lfunc_end0:
.L_simem_size_0:
called_computation_lowered:
.L_overlay_start_0:
0x88: {  	s2 =	sld [smem:$0x3FD9]  }
0x89: {  	s3 =	sld [smem:$0x3FFE];
	_ =	sdelay $0x1  }
0x8a: {  	s1 =	srdreg.scid  }
0x8b: {  	s0 =	sand.u32 $0x1, s1  }
0x8c: {  	s14 =	sshll.u32 s0, $0xA;
	s2 =	sadd.s32 s3, s2  }
0x8d: {  	s2 =	sadd.s32 s2, s14  }
0x8e: {  	[smem:$0x3FC3] =	sst s2  }
0x8f: {  	_ = 	snop  }
0x90: {  	s2 =	sld [smem:$0x3FD0]  }
0x91: {  	s15 =	sld [smem:$0x3FC8]  }
0x92: {  	s4 =	sld [smem:$0x3FC6]  }
0x93: {  	s6 =	simm.s32 $0xA;
	s7 =	simm.s32 $0x10;
	s5 =	sld [smem:$0x3FC5]  }
0x94: {  	[smem:s7], [sflag:s6] =	dma.local [hbm:s2], $0x1  }
0x95: {  	_ =	swait.eq [sflag:s6], $0x1  }
0x96: {  	[sflag:s6] =	ssyncset.done $0x0  }
0x97: {  	s16 =	sld [smem:$0x10];
	[sflag:s6] =	ssyncadd.s32 $0xFFFFFFFF  }
0x98: {  	s17 =	sld [smem:$0x11];
	(tm) =	ssettm $0x1  }
0x99: {  	s18 =	sld [smem:$0x3FFB];
	_ =	sdelay $0x3  }
0x9a: {  	_ =	strace s18  }
0x9b: {  	s7 =	sld [smem:$0x3FFC];
	_ =	sdelay $0x3  }
0x9c: {  	_ =	strace s7  }
0x9d: {  	s7 =	sld [smem:$0x3FFD];
	_ =	sdelay $0x3  }
0x9e: {  	_ =	strace s7  }
0x9f: {  	_ =	strace $0x8FFFFFFF  }
0xa0: {  	s19 =	sld [smem:$0x3FDB];
	_ =	sdelay $0x1  }
0xa1: {  	s8 =	simm.s32 $_scs_section_size  }
0xa2: {  	s9 =	simm.s32 $_size__tile_overlayer_lowered;
	s10 =	simm.s32 $_tile_overlayer_lowered  }
0xa3: {  	s22 =	simm.s32 $0x1BFF;
	s21 =	sshll.u32 s10, $0x1;
	s7 =	sadd.s32 s8, s19  }
0xa4: {  	s11 =	simm.s32 $0x0;
	s20 =	sshll.u32 s9, $0x1;
	s9 =	sadd.s32 s21, s7  }
0xa5: {  	[timem:s11], [sflag:s22] =	dma.local [hbm:s9], s20  }
0xa6: {  	_ =	swait.ge [sflag:s22], s20  }
0xa7: {  	s8 =	ssub.s32 $0x0, s20;
	[sflag:s22] =	ssyncset.done $0x0  }
0xa8: {  	[sflag:s22] =	ssyncadd.s32 s8;
	_ =	sdelay $0x1  }
0xa9: {  	s23 =	simm.s32 $0x1B8B  }
0xaa: {  	_ =	swait.ge [sflag:s23], $0x1  }
0xab: {  	[sflag:s23] =	ssyncset.done $0x0  }
0xac: {  	s25 =	simm.s32 $0x1B8E;
	s24 =	sld [smem:$0x3FFE];
	[sflag:s23] =	ssyncadd.s32 $0xFFFFFFFF  }
0xad: {  	s26 =	simm.s32 $execute0_lowered;
	[smem:$0x3FD2] =	sst s25  }
0xae: {  	s9 =	sshll.u32 s26, $0x1;
	_ =	strace $0x80000046;
	[dreg:$0x1] =	wrdreg $0xFFFFFFFF  }
0xaf: {  	s28 =	simm.s32 $_size_execute0_lowered;
	s7 =	sadd.s32 s7, s9;
	[dreg:$0x0] =	wrdreg $0x0  }
0xb0: {  	s9 =	sshll.u32 s28, $0x1;
	[dreg:$0x2] =	wrdreg s7  }
0xb1: {  	[dreg:$0x3] =	wrdreg s9  }
0xb2: {  	[dreg:$0x4] =	wrdreg $0xC0  }
0xb3: {  	_ =	task [dreg:s11], $0x5FFFF  }
0xb4: {  	[dreg:$0x1] =	wrdreg $0xFFFFFFFF  }
0xb5: {  	[dreg:$0x0] =	wrdreg $0x60  }
0xb6: {  	[dreg:$0x2] =	wrdreg s17  }
0xb7: {  	[dreg:$0x3] =	wrdreg s15  }
0xb8: {  	[dreg:$0x4] =	wrdreg s5  }
0xb9: {  	[dreg:$0x5] =	wrdreg s4  }
0xba: {  	[dreg:$0x6] =	wrdreg s16  }
0xbb: {  	[dreg:$0x7] =	wrdreg s24  }
0xbc: {  	[dreg:$0x8] =	wrdreg $0x9  }
0xbd: {  	_ =	task.clear_ibuf [dreg:s11], $0x9FFFF;
	_ =	strace $0x90000046  }
0xbe: {  	s29 =	simm.s32 $0x9;
	_ =	strace $0x80000048  }
0xbf: {  	_ =	swait.ge [sflag:s29], $0x1  }
0xc0: {  	[sflag:s29] =	ssyncadd.s32 $0xFFFFFFFF  }
0xc1: {  	_ =	strace $0x90000048  }
0xc2: {  	_ =	sfence  }
0xc3: {  	s30 =	sld [smem:$0x0];
	_ =	sdelay $0x2  }
0xc4: {  	s31 =	sshll.u32 s1, $0xD;
	s1 =	sshrl.u32 s1, $0x2  }
0xc5: {  	s3 =	sand.u32 $0x4000, s31;
	s1 =	sadd.s32 s1, s30  }
0xc6: {  	s0 =	sor.u32 s3, s0;
	s1 =	sshll.u32 s1, $0x11  }
0xc7: {  	s0 =	sor.u32 s1, s0  }
0xc8: {  	s0 =	sadd.s32 $0x8F2B, s0  }
0xc9: {  	[sflag:s0] =	ssyncadd.remote.s32 $0x1  }
0xca: {  	_ =	sfence.sel $0xFFFF  }
0xcb: {  	[dreg:$0x0] =	wrdreg $0xFFFFFFFF;
	(pc) =	sbr.abs _section_cstart, $3  }
0xcc: {  	[dreg:$0x1] =	wrdreg $0xFFFFFFFF  }
0xcd: {  	_ =	task.clear_ibuf [dreg:s11], $0x2FFFF;
	_ =	strace $0x9FFFFFFF  }
0xce: {  	(tm) =	ssettm $0x7FFFFFFF  }
0xcf: {  	_ =	shalt  }
tec
execute0_lowered:
.L_overlay_start_1:
0x0: {  	(tag) =	ssettag $0x1  }
0x1: {  	s7 =	rddreg [dreg:$0x0]  }
0x2: {  	s2 =	rddreg [dreg:$0x2]  }
0x3: {  	s9 =	rddreg [dreg:$0x4]  }
0x4: {  	s1 =	srdreg.scid;
	s10 =	rddreg [dreg:$0x5]  }
0x5: {  	s0 =	stileid.u32;
	s5 =	simm.s32 $0x1;
	s4 =	rddreg [dreg:$0x6]  }
0x6: {  	s13 =	simm.s32 $0x30;
	s6 =	simm.s32 $0x1;
	s17 =	simm.s32 $0x1280  }
0x7: {  	s18 =	simm.s32 $0x1A80;
	s20 =	simm.s32 $0x2A80;
	s21 =	simm.s32 $0x3280  }
0x8: {  	s23 =	simm.s32 $0x4280;
	s24 =	simm.s32 $0x4A80;
	s8 =	sand.u32 $0x1, s1  }
0x9: {  	s25 =	simm.s32 $0x5280;
	s26 =	simm.s32 $0x5A80;
	s3 =	sor.u32 s8, s0  }
0xa: {  	s28 =	simm.s32 $0x200;
	p1 =	seq.s32 s8, $0x1;
	p0 =	seq.s32 s3, $0x0  }
0xb: {  	s1 =	rddreg [dreg:$0x1];
	s8 =	ssub.s32 $0x2, s8;
	p0 =	por !p0, !p1  }
0xc: {  	v12 =	vlaneseq.u32;
	s3 =	rddreg [dreg:$0x3];
	s13 =	simm.s32 @!p1 $0x0;
	p0 =	por !p0, !p0  }
0xd: {  	v4 =	vor.u32 $0xFFFFFFF0, v12;
	s29 =	sshrl.u32 s8, $0x1;
	s19 =	sadd.s32 $0x10, s13;
	s5 =	simm.s32 @!p0 $0x0  }
0xe: {  	v9 =	vadd.s32 $0xFFFFFFFF, v12;
	s16 =	sshll.u32 s13, $0x9;
	v2 =	vadd.s32 s13, v4;
	s22 =	sadd.s32 $0x20, s13;
	v5 =	vadd.s32 s19, v4;
	s11 =	ssub.s32 s0, s5  }
0xf: {  	v8 =	vadd.s32 s22, v4;
	v4 =	vor.u32 s19, v12;
	v6 =	vadd.s32 s19, v9;
	s19 =	simm.s32 $0x2280;
	s5 =	simm.s32 $0x0;
	s12 =	smul.u32 $0x60, s11  }
0x10: {  	v3 =	vadd.s32 s13, v9;
	v7 =	vor.u32 s22, v12;
	v9 =	vadd.s32 s22, v9;
	s22 =	simm.s32 $0x3A80;
	[smem:$0x7FF] =	sst s5;
	s15 =	smul.u32 $0xC000, s11  }
0x11: {  	_ =	strace $0x80000047;
	s14 =	sadd.s32 s13, s12;
	s30 =	sshrl.u32 s12, $0x3  }
0x12: {  	v1 =	vor.u32 s13, v12;
	s31 =	sadd.s32 s16, s15;
	s13 =	simm.s32 $0x80;
	s15 =	simm.s32 $0x280  }
0x13: {  	v11 =	vshrl.u32 v12, $0x3;
	v10 =	vand.u32 $0x7, v12;
	vm0 =	vgt.s32 v2, $0x0;
	s16 =	simm.s32 $0xA80;
	s14 =	sshrl.u32 s14, $0x3;
	s7 =	sadd.s32 s7, s30  }
0x14: {  	v11 =	vmul.u32 $0x8, v11;
	v2 =	vnsel vm0, $0x0, v2;
	vm0 =	vgt.s32 v5, $0x0;
	s12 =	sshrl.u32 s31, $0x3;
	s10 =	sadd.s32 s14, s10;
	s14 =	ssub.s32 s8, s29  }
0x15: {  	v12 =	vor.u32 $0x8, v12;
	v5 =	vnsel vm0, $0x0, v5;
	vm0 =	vgt.s32 v8, $0x0;
	s8 =	sadd.s32 $0x100, s3;
	s9 =	sadd.s32 s9, s12;
	s12 =	simm.s32 $0x2  }
0x16: {  	v0 =	vmov s11;
	v8 =	vnsel vm0, $0x0, v8;
	vm0 =	vmmov $0xffff;
	s10 =	sadd.s32 $0xA00, s10;
	s11 =	smax.u32 s14, $0x1;
	s14 =	simm.s32 $0x100  }
.LBB2_1:
0x17: {  	[tilespmem:s5], [sflag:$0x2] =	stream.linear.gather [hbm4b:s7+s5], $0x60, $0x38;
	[tilespmem:$0x6280] =	vst v63  }
0x18: {  	_ =	swait.ge [sflag:s12], $0x60  }
0x19: {  	[sflag:s12] =	ssyncset.done $0x0  }
0x1a: {  	[sflag:s12] =	ssyncadd.s32 $0xFFFFFFA0  }
0x1b: {  	[tilespmem:s13], [sflag:$0x2] =	stream.linear.gather [hbm4b:s1+s5], $0x80, $0x38;
	[tilespmem:$0x6280] =	vst v63  }
0x1c: {  	_ =	swait.ge [sflag:s12], $0x80  }
0x1d: {  	[sflag:s12] =	ssyncset.done $0x0  }
0x1e: {  	[sflag:s12] =	ssyncadd.s32 $0xFFFFFF80  }
0x1f: {  	[tilespmem:s14], [sflag:$0x2] =	stream.linear.gather [hbm4b:s2+s5], $0x80, $0x38;
	[tilespmem:$0x6280] =	vst v63  }
0x20: {  	_ =	swait.ge [sflag:s12], $0x80  }
0x21: {  	[sflag:s12] =	ssyncset.done $0x0  }
0x22: {  	[sflag:s12] =	ssyncadd.s32 $0xFFFFFF80  }
0x23: {  	v13 =	vld.idx.msk [tilespmem:v0+s13+$0x0], $0xffff;
	_ =	sdelay $0x4  }
0x24: {  	vm1 =	vgt.s32 v1, v13  }
0x25: {  	v15 =	vsub.s32 v3, v13;
	v14 =	vsel vm1, v2, v1  }
0x26: {  	vm3 =	vgt.s32 v15, $0x0;
	vm2 =	vlt.s32 v14, $0x4C  }
0x27: {  	v15 =	vnsel vm3, $0x0, v15;
	v14 =	vnsel vm2, $0x4C, v14  }
0x28: {  	v15 =	vmin.u32 v15, $0xF;
	_ =	sdelay $0x3  }
0x29: {  	vm2 =	vgt.s32 v4, v13;
	v14 =	vld.idx.msk [tilespmem:v14+s5+$0x0], $0xffff  }
0x2a: {  	v17 =	vsub.s32 v6, v13;
	v16 =	vsel vm2, v5, v4;
	v15 =	vld.idx.msk [tilespmem:v15+s14+$0x0], $0xffff  }
0x2b: {  	vm4 =	vgt.s32 v17, $0x0;
	vm3 =	vlt.s32 v16, $0x4C  }
0x2c: {  	v18 =	vadd.s32 $0x10, v13;
	v17 =	vnsel vm4, $0x0, v17;
	v16 =	vnsel vm3, $0x4C, v16  }
0x2d: {  	v17 =	vmin.u32 v17, $0xF;
	vm3 =	vle.s32 v1, v18  }
0x2e: {  	vm1 =	vmand vm1, vm3  }
0x2f: {  	v15 =	vsel vm1, v15, v14;
	[tilespmem:$0x180] =	vst v14  }
0x30: {  	[tilespmem:$0x200] =	vst v15;
	v62 =	vld [tilespmem:$0x180]  }
0x31: {  	vm1 =	vgt.s32 v7, v13;
	v14 =	vld.idx.msk [tilespmem:v16+s5+$0x0], $0xffff  }
0x32: {  	v13 =	vsub.s32 v9, v13;
	v61 =	vsel vm1, v8, v7;
	v15 =	vld.idx.msk [tilespmem:v17+s14+$0x0], $0xffff  }
0x33: {  	vm15 =	vgt.s32 v13, $0x0;
	vm3 =	vlt.s32 v61, $0x4C  }
0x34: {  	v13 =	vnsel vm15, $0x0, v13;
	v16 =	vnsel vm3, $0x4C, v61  }
0x35: {  	vm3 =	vle.s32 v4, v18;
	v13 =	vmin.u32 v13, $0xF  }
0x36: {  	vm2 =	vmand vm2, vm3  }
0x37: {  	v15 =	vsel vm2, v15, v14;
	[tilespmem:$0x190] =	vst v14;
	v14 =	vshll.u32 v62, $0x2  }
0x38: {  	v63 =	vand.u32 $0x7, v62;
	[tilespmem:$0x210] =	vst v15;
	v14 =	vand.u32 $0xFFFFFFE0, v14  }
0x39: {  	v15 =	vld.idx.msk [tilespmem:v16+s5+$0x0], $0xffff;
	v14 =	vor.u32 v63, v14  }
0x3a: {  	v13 =	vld.idx.msk [tilespmem:v13+s14+$0x0], $0xffff;
	v16 =	vperm.xlane v14, v10;
	_ =	sdelay $0x1  }
0x3b: {  	v16 =	vadd.s32 v11, v16  }
0x3c: {  	vm2 =	vle.s32 v7, v18  }
0x3d: {  	vm1 =	vmand vm1, vm2;
	v14 =	vperm.xlane v14, v12  }
0x3e: {  	v13 =	vsel vm1, v13, v15;
	[tilespmem:$0x1A0] =	vst v15  }
0x3f: {  	[tilespmem:$0x220] =	vst v13;
	v13 =	vadd.s32 v11, v14  }
0x40: {  	[tilespmem:s15], [sflag:$0x1] =	stream.indirect_vreg.gather [hbm4b:s3+s5], $0x80, v16, vm0, $0xb8;
	[tilespmem:$0x6280] =	vst v63  }
0x41: {  	_ = 	snop  }
0x42: {  	[tilespmem:s16], [sflag:$0x1] =	stream.indirect_vreg.gather [hbm4b:s8+s5], $0x80, v16, vm0, $0xb8;
	[tilespmem:$0x6280] =	vst v63  }
0x43: {  	_ = 	snop  }
0x44: {  	[tilespmem:s17], [sflag:$0x1] =	stream.indirect_vreg.gather [hbm4b:s3+s5], $0x80, v13, vm0, $0xb8;
	[tilespmem:$0x6280] =	vst v63  }
0x45: {  	_ = 	snop  }
0x46: {  	[tilespmem:s18], [sflag:$0x1] =	stream.indirect_vreg.gather [hbm4b:s8+s5], $0x80, v13, vm0, $0xb8;
	[tilespmem:$0x6280] =	vst v63  }
0x47: {  	v13 =	vld [tilespmem:$0x190];
	_ =	sdelay $0x4  }
0x48: {  	v14 =	vshll.u32 v13, $0x2  }
0x49: {  	v13 =	vand.u32 $0x7, v13;
	v14 =	vand.u32 $0xFFFFFFE0, v14  }
0x4a: {  	v13 =	vor.u32 v13, v14  }
0x4b: {  	v14 =	vperm.xlane v13, v10;
	_ =	sdelay $0x1  }
0x4c: {  	v14 =	vadd.s32 v11, v14;
	_ =	sdelay $0x1  }
0x4d: {  	v13 =	vperm.xlane v13, v12;
	_ =	sdelay $0x1  }
0x4e: {  	v13 =	vadd.s32 v11, v13  }
0x4f: {  	[tilespmem:s19], [sflag:$0x1] =	stream.indirect_vreg.gather [hbm4b:s3+s5], $0x80, v14, vm0, $0xb8;
	[tilespmem:$0x6280] =	vst v63  }
0x50: {  	_ = 	snop  }
0x51: {  	[tilespmem:s20], [sflag:$0x1] =	stream.indirect_vreg.gather [hbm4b:s8+s5], $0x80, v14, vm0, $0xb8;
	[tilespmem:$0x6280] =	vst v63  }
0x52: {  	_ = 	snop  }
0x53: {  	[tilespmem:s21], [sflag:$0x1] =	stream.indirect_vreg.gather [hbm4b:s3+s5], $0x80, v13, vm0, $0xb8;
	[tilespmem:$0x6280] =	vst v63  }
0x54: {  	_ = 	snop  }
0x55: {  	[tilespmem:s22], [sflag:$0x1] =	stream.indirect_vreg.gather [hbm4b:s8+s5], $0x80, v13, vm0, $0xb8;
	[tilespmem:$0x6280] =	vst v63  }
0x56: {  	v13 =	vld [tilespmem:$0x1A0];
	_ =	sdelay $0x4  }
0x57: {  	v14 =	vshll.u32 v13, $0x2  }
0x58: {  	v13 =	vand.u32 $0x7, v13;
	v14 =	vand.u32 $0xFFFFFFE0, v14  }
0x59: {  	v13 =	vor.u32 v13, v14  }
0x5a: {  	v14 =	vperm.xlane v13, v10;
	_ =	sdelay $0x1  }
0x5b: {  	v14 =	vadd.s32 v11, v14;
	_ =	sdelay $0x1  }
0x5c: {  	v13 =	vperm.xlane v13, v12;
	_ =	sdelay $0x1  }
0x5d: {  	v13 =	vadd.s32 v11, v13  }
0x5e: {  	[tilespmem:s23], [sflag:$0x1] =	stream.indirect_vreg.gather [hbm4b:s3+s5], $0x80, v14, vm0, $0xb8;
	[tilespmem:$0x6280] =	vst v63  }
0x5f: {  	_ = 	snop  }
0x60: {  	[tilespmem:s24], [sflag:$0x1] =	stream.indirect_vreg.gather [hbm4b:s8+s5], $0x80, v14, vm0, $0xb8;
	[tilespmem:$0x6280] =	vst v63  }
0x61: {  	_ = 	snop  }
0x62: {  	[tilespmem:s25], [sflag:$0x1] =	stream.indirect_vreg.gather [hbm4b:s3+s5], $0x80, v13, vm0, $0xb8;
	[tilespmem:$0x6280] =	vst v63  }
0x63: {  	_ = 	snop  }
0x64: {  	[tilespmem:s26], [sflag:$0x1] =	stream.indirect_vreg.gather [hbm4b:s8+s5], $0x80, v13, vm0, $0xb8;
	[tilespmem:$0x6280] =	vst v63  }
0x65: {  	_ =	swait.ge [sflag:s6], $0x6000  }
0x66: {  	[sflag:s6] =	ssyncset.done $0x0  }
0x67: {  	[sflag:s6] =	ssyncadd.s32 $0xFFFFA000  }
0x68: {  	[hbm4b:s9+s5] =	stream.linear.scatter [tilespmem:s15], [sflag:$0x2], $0x6000, $0x38;
	[tilespmem:$0x6280] =	vst v63  }
0x69: {  	_ =	swait.ge [sflag:s12], $0x6000  }
0x6a: {  	p0 =	sne.s32 s11, $0x1;
	[sflag:s12] =	ssyncset.done $0x0  }
.Ltmp0:
0x6b: {  	[sflag:s12] =	ssyncadd.s32 $0xFFFFA000;
	(pc) =	sbr.rel @p0 .LBB2_1-.Ltmp0, $4  }
0x6c: {  	[hbm4b:s10+s5] =	stream.linear.scatter [tilespmem:s28], [sflag:$0x2], $0x30, $0x38;
	[tilespmem:$0x6280] =	vst v63  }
0x6d: {  	_ =	swait.ge [sflag:s12], $0x30  }
0x6e: {  	[sflag:s12] =	ssyncset.done $0x0  }
0x6f: {  	s11 =	sadd.s32 $0xFFFFFFFF, s11;
	[sflag:s12] =	ssyncadd.s32 $0xFFFFFFD0  }
0x70: {  	_ =	sfence.sel $0x180000  }
0x71: {  	[bflag:$0x0] =	sbarrier.arrive $0xFFFF  }
0x72: {  	p0 =	sne.s32 s0, $0x0;
	_ =	strace $0x90000047  }
0x73: {  	s0 =	sadd.s32 @!p0 $0x100000, s4;
	[bflag:$0x2] =	sbarrier.arrive $0xFFFF  }
0x74: {  	[sflag:s0] =	ssyncadd.tile.s32 @!p0 $0x1;
	_ =	shalt  }
.Lfunc_end2:
_tile_overlayer_lowered:
.L_overlay_start_2:
0x75: {  	(tag) =	ssettag $0x2  }
0x76: {  	s0 =	rddreg [dreg:$0x0];
	s2 =	stileid.u32  }
0x77: {  	s1 =	rddreg [dreg:$0x1];
	p0 =	sne.s32 s2, $0x0  }
0x78: {  	s3 =	rddreg [dreg:$0x2];
	[bflag:$0x3] =	sbarrier.arrive $0xFFFF;
	s2 =	simm.s32 @!p0 $0x1C02  }
0x79: {  	[timem:s3], [sflag:s2] =	dma.local @!p0 [hbm:s0], s1  }
0x7a: {  	s0 =	simm.s32 @!p0 $0x2  }
0x7b: {  	_ =	swait.ge @!p0 [sflag:s0], s1  }
0x7c: {  	s1 =	ssub.s32 @!p0 $0x0, s1;
	[sflag:s0] =	ssyncset.done @!p0 $0x0  }
0x7d: {  	[sflag:s0] =	ssyncadd.s32 @!p0 s1  }
0x7e: {  	[bflag:$0x3] =	sbarrier.arrive $0xFFFF  }
0x7f: {  	_ =	shalt  }

</sc_bundles>
